<compile_context>
chip_gen: v7x
topology: tpu7x:2x2x1
jax: 0.10.2.dev20260603
libtpu: 0.0.44.dev20260713+nightly
codegen_flags: <defaults>
</compile_context>

<pallas_src>
import functools

import jax
import jax.numpy as jnp
from jax import lax
from jax.experimental import pallas as pl
from jax.experimental.pallas import tpu as pltpu
from jax.experimental.pallas import tpu_sc as plsc

V = 100000
E = 32
H = 64
B = 1024
L = 50
N = B * L

_NC = 2
_NS = 16
_NW = _NC * _NS
_PER_W = N // _NW
_CHUNK = 100
_NCHUNK = _PER_W // _CHUNK


def _sc_gather(embed_table, idx):
    mesh = plsc.VectorSubcoreMesh(core_axis_name="c", subcore_axis_name="s")

    @functools.partial(
        pl.kernel,
        mesh=mesh,
        compiler_params=pltpu.CompilerParams(use_tc_tiling_on_sc=False),
        out_type=jax.ShapeDtypeStruct((_NW, _NCHUNK, _CHUNK, E), jnp.float32),
        scratch_types=[
            pltpu.VMEM((_NCHUNK, _CHUNK), jnp.int32),
            pltpu.VMEM((_NCHUNK, _CHUNK, E), jnp.float32),
            pltpu.SemaphoreType.DMA,
        ],
    )
    def gather_kernel(table_hbm, idx_hbm, out_hbm, idx_v, rows_v, sem):
        wid = lax.axis_index("s") * _NC + lax.axis_index("c")
        pltpu.sync_copy(idx_hbm.at[wid], idx_v)
        copies = [
            pltpu.async_copy(table_hbm.at[idx_v.at[j]], rows_v.at[j], sem)
            for j in range(_NCHUNK)
        ]
        for c in copies:
            c.wait()
        pltpu.sync_copy(rows_v, out_hbm.at[wid])

    return gather_kernel(embed_table, idx)


def _gru_body(emb_ref, wih_ref, whh_ref, bih_ref, bhh_ref, out_ref):
    wih = wih_ref[...]
    whh = whh_ref[...]
    bih = bih_ref[...]
    bhh = bhh_ref[...]

    def step(t, h):
        xt = emb_ref[pl.ds(t * B, B), :]
        gi = jnp.dot(xt, wih, preferred_element_type=jnp.float32) + bih
        gh = jnp.dot(h, whh, preferred_element_type=jnp.float32) + bhh
        r = jax.nn.sigmoid(gi[:, 0:H] + gh[:, 0:H])
        z = jax.nn.sigmoid(gi[:, H:2 * H] + gh[:, H:2 * H])
        n = jnp.tanh(gi[:, 2 * H:3 * H] + r * gh[:, 2 * H:3 * H])
        return (1.0 - z) * n + z * h

    out_ref[...] = lax.fori_loop(0, L, step, jnp.zeros((B, H), jnp.float32))


def _gru(emb_t, w_ih, w_hh, b_ih, b_hh):
    return pl.pallas_call(
        _gru_body,
        out_shape=jax.ShapeDtypeStruct((B, H), jnp.float32),
    )(emb_t, w_ih.T, w_hh.T, b_ih.reshape(1, 3 * H), b_hh.reshape(1, 3 * H))


_VB = 2048


def _fc_body(h_ref, w_ref, b_ref, out_ref):
    out_ref[...] = (
        lax.dot_general(h_ref[...], w_ref[...], (((1,), (1,)), ((), ())),
                        preferred_element_type=jnp.float32)
        + b_ref[...]
    )


def _fc(h, fc_w, fc_b):
    return pl.pallas_call(
        _fc_body,
        grid=(pl.cdiv(V, _VB),),
        in_specs=[
            pl.BlockSpec((B, H), lambda i: (0, 0)),
            pl.BlockSpec((_VB, H), lambda i: (i, 0)),
            pl.BlockSpec((1, _VB), lambda i: (0, i)),
        ],
        out_specs=pl.BlockSpec((B, _VB), lambda i: (0, i)),
        out_shape=jax.ShapeDtypeStruct((B, V), jnp.float32),
    )(h, fc_w, fc_b.reshape(1, V))


def kernel(x, embed_table, w_ih, w_hh, b_ih, b_hh, fc_w, fc_b):
    idx = x.astype(jnp.int32).T.reshape(_NW, _NCHUNK, _CHUNK)
    emb_t = _sc_gather(embed_table, idx).reshape(N, E)
    h = _gru(emb_t, w_ih, w_hh, b_ih, b_hh)
    return _fc(h, fc_w, fc_b)

# --- scband reference (transcript-rebuilt; emitter-appended) ---
"""Pipeline reference for scband-code-rnn-39788577030327 (READ-ONLY COPY).

The authoritative reference and input builder live on the scoring server;
editing this copy changes nothing except your own understanding.
"""

import jax, jax.numpy as jnp
import numpy as np

V = 100000
E = 32
H = 64
B = 1024
L = 50


def setup_inputs(seed: int = 0) -> dict:
    key = jax.random.key(seed)
    ks = jax.random.split(key, 8)
    x = jax.random.randint(ks[0], (B, L), 0, V)
    embed_table = jax.random.normal(ks[1], (V, E), dtype=jnp.float32) * 0.05
    w_ih = jax.random.normal(ks[2], (3 * H, E), dtype=jnp.float32) * (1.0 / np.sqrt(H))
    w_hh = jax.random.normal(ks[3], (3 * H, H), dtype=jnp.float32) * (1.0 / np.sqrt(H))
    b_ih = jax.random.normal(ks[4], (3 * H,), dtype=jnp.float32) * 0.01
    b_hh = jax.random.normal(ks[5], (3 * H,), dtype=jnp.float32) * 0.01
    fc_w = jax.random.normal(ks[6], (V, H), dtype=jnp.float32) * (1.0 / np.sqrt(H))
    fc_b = jnp.zeros((V,), dtype=jnp.float32)
    return {"x": x, "embed_table": embed_table, "w_ih": w_ih, "w_hh": w_hh,
            "b_ih": b_ih, "b_hh": b_hh, "fc_w": fc_w, "fc_b": fc_b}


def _gru_cell(h, xt, w_ih, w_hh, b_ih, b_hh):
    # PyTorch GRU gate order: r, z, n
    gi = xt @ w_ih.T + b_ih
    gh = h @ w_hh.T + b_hh
    i_r, i_z, i_n = jnp.split(gi, 3, axis=-1)
    h_r, h_z, h_n = jnp.split(gh, 3, axis=-1)
    r = jax.nn.sigmoid(i_r + h_r)
    z = jax.nn.sigmoid(i_z + h_z)
    n = jnp.tanh(i_n + r * h_n)
    return (1.0 - z) * n + z * h


def reference(x, embed_table, w_ih, w_hh, b_ih, b_hh, fc_w, fc_b):
    emb = jnp.take(embed_table, x, axis=0)  # [B, L, E] embedding gather
    h0 = jnp.zeros((x.shape[0], H), dtype=embed_table.dtype)

    def step(h, xt):
        h_new = _gru_cell(h, xt, w_ih, w_hh, b_ih, b_hh)
        return h_new, None

    h_final, _ = jax.lax.scan(step, h0, jnp.swapaxes(emb, 0, 1))
    # fc(h.squeeze(0)) -> logits over vocab
    return h_final @ fc_w.T + fc_b

if __name__ == "__main__":
    import jax
    _d = setup_inputs()
    print(jax.jit(kernel)(*tuple(_d.values())))

</pallas_src>

<mosaic_0001>
#map = affine_map<(d0, d1) -> (0, 0)>
#map1 = affine_map<(d0, d1) -> (0, 0, 0)>
#map2 = affine_map<(d0, d1) -> (0, 0, 0, 0)>
module attributes {stable_mosaic.version = 14 : i64} {
  func.func @gather_kernel(%arg0: i32, %arg1: i32, %arg2: memref<100000x32xf32, #tpu.memory_space<hbm>>, %arg3: memref<32x16x100xi32, #tpu.memory_space<hbm>>, %arg4: memref<32x16x100x32xf32, #tpu.memory_space<hbm>>, %arg5: memref<16x100xi32, #tpu.memory_space<vmem>>, %arg6: memref<16x100x32xf32, #tpu.memory_space<vmem>>, %arg7: memref<!tpu.dma_semaphore, #tpu.memory_space<semaphore_mem>>) attributes {dimension_semantics = [#tpu.dimension_semantics<core_parallel>, #tpu.dimension_semantics<subcore_parallel>], iteration_bounds = array<i64: 2, 16>, scalar_prefetch = 0 : i64, scratch_operands = 3 : i64, tpu.core_type = #tpu.core_type<sc_vector_subcore>, window_params = [{transform_indices = #map}, {transform_indices = #map1}, {transform_indices = #map2}]} {
    %mul3A = arith.constant 2 : i32
    %mul3A_0 = arith.muli %arg1, %mul3A : i32
    %add3A = arith.addi %mul3A_0, %arg0 : i32
    "tpu.region"() ({
      %run_scoped3A = tpu.sem_alloc : memref<!tpu.dma_semaphore, #tpu.memory_space<semaphore_mem>>
      %dma_start3A_383 = arith.constant 0 : i32
      %dma_start3A_384 = arith.constant 0 : i32
      %dma_start3A_385 = tpu.memref_slice %arg3[%add3A, %dma_start3A_383, %dma_start3A_384] : memref<32x16x100xi32, #tpu.memory_space<hbm>> -> memref<1x16x100xi32, #tpu.memory_space<hbm>>
      %dma_start3A_386 = tpu.memref_squeeze %dma_start3A_385 : memref<1x16x100xi32, #tpu.memory_space<hbm>> -> memref<16x100xi32, #tpu.memory_space<hbm>>
      %dma_start3A_387 = arith.constant 0 : i32
      %dma_start3A_388 = arith.constant 0 : i32
      %dma_start3A_389 = tpu.memref_slice %arg3[%add3A, %dma_start3A_387, %dma_start3A_388] : memref<32x16x100xi32, #tpu.memory_space<hbm>> -> memref<1x16x100xi32, #tpu.memory_space<hbm>>
      %dma_start3A_390 = tpu.memref_squeeze %dma_start3A_389 : memref<1x16x100xi32, #tpu.memory_space<hbm>> -> memref<16x100xi32, #tpu.memory_space<hbm>>
      tpu.enqueue_dma source(%dma_start3A_390 : memref<16x100xi32, #tpu.memory_space<hbm>>) target(%arg5 : memref<16x100xi32, #tpu.memory_space<vmem>>) target_semaphore(%run_scoped3A : memref<!tpu.dma_semaphore, #tpu.memory_space<semaphore_mem>>)
      %dma_wait3A_391 = arith.constant 0 : i32
      %dma_wait3A_392 = arith.constant 0 : i32
      %dma_wait3A_393 = tpu.memref_slice %arg3[%add3A, %dma_wait3A_391, %dma_wait3A_392] : memref<32x16x100xi32, #tpu.memory_space<hbm>> -> memref<1x16x100xi32, #tpu.memory_space<hbm>>
      %dma_wait3A_394 = tpu.memref_squeeze %dma_wait3A_393 : memref<1x16x100xi32, #tpu.memory_space<hbm>> -> memref<16x100xi32, #tpu.memory_space<hbm>>
      %dma_wait3A_395 = arith.constant 0 : i32
      %dma_wait3A_396 = arith.constant 0 : i32
      %dma_wait3A_397 = tpu.memref_slice %arg3[%add3A, %dma_wait3A_395, %dma_wait3A_396] : memref<32x16x100xi32, #tpu.memory_space<hbm>> -> memref<1x16x100xi32, #tpu.memory_space<hbm>>
      %dma_wait3A_398 = tpu.memref_squeeze %dma_wait3A_397 : memref<1x16x100xi32, #tpu.memory_space<hbm>> -> memref<16x100xi32, #tpu.memory_space<hbm>>
      tpu.wait_dma2 semaphore(%run_scoped3A : memref<!tpu.dma_semaphore, #tpu.memory_space<semaphore_mem>>) src(%dma_wait3A_398 : memref<16x100xi32, #tpu.memory_space<hbm>>) dst(%arg5 : memref<16x100xi32, #tpu.memory_space<vmem>>)
      tpu.yield
    }) : () -> ()
    %dma_start3A = arith.constant 0 : i32
    %dma_start3A_1 = arith.constant 0 : i32
    %dma_start3A_2 = arith.constant 0 : i32
    %dma_start3A_3 = arith.constant 0 : i32
    %dma_start3A_4 = tpu.memref_slice %arg6[%dma_start3A_1, %dma_start3A_2, %dma_start3A_3] : memref<16x100x32xf32, #tpu.memory_space<vmem>> -> memref<1x100x32xf32, #tpu.memory_space<vmem>>
    %dma_start3A_5 = tpu.memref_squeeze %dma_start3A_4 : memref<1x100x32xf32, #tpu.memory_space<vmem>> -> memref<100x32xf32, #tpu.memory_space<vmem>>
    %dma_start3A_6 = arith.constant 0 : i32
    %dma_start3A_7 = tpu.memref_slice %arg5[%dma_start3A, %dma_start3A_6] : memref<16x100xi32, #tpu.memory_space<vmem>> -> memref<1x100xi32, #tpu.memory_space<vmem>>
    %dma_start3A_8 = tpu.memref_squeeze %dma_start3A_7 : memref<1x100xi32, #tpu.memory_space<vmem>> -> memref<100xi32, #tpu.memory_space<vmem>>
    %dma_start3A_9 = arith.constant 0 : i32
    %dma_start3A_10 = arith.constant 0 : i32
    %dma_start3A_11 = tpu.memref_slice %arg2[%dma_start3A_9, %dma_start3A_10] : memref<100000x32xf32, #tpu.memory_space<hbm>> -> memref<100000x32xf32, #tpu.memory_space<hbm>>
    tpu.enqueue_indirect_dma source(%dma_start3A_11 : memref<100000x32xf32, #tpu.memory_space<hbm>>) target(%dma_start3A_5 : memref<100x32xf32, #tpu.memory_space<vmem>>) offsets(%dma_start3A_8 : memref<100xi32, #tpu.memory_space<vmem>>) semaphore(%arg7 : memref<!tpu.dma_semaphore, #tpu.memory_space<semaphore_mem>>)
    %dma_start3A_12 = arith.constant 1 : i32
    %dma_start3A_13 = arith.constant 1 : i32
    %dma_start3A_14 = arith.constant 0 : i32
    %dma_start3A_15 = arith.constant 0 : i32
    %dma_start3A_16 = tpu.memref_slice %arg6[%dma_start3A_13, %dma_start3A_14, %dma_start3A_15] : memref<16x100x32xf32, #tpu.memory_space<vmem>> -> memref<1x100x32xf32, #tpu.memory_space<vmem>>
    %dma_start3A_17 = tpu.memref_squeeze %dma_start3A_16 : memref<1x100x32xf32, #tpu.memory_space<vmem>> -> memref<100x32xf32, #tpu.memory_space<vmem>>
    %dma_start3A_18 = arith.constant 0 : i32
    %dma_start3A_19 = tpu.memref_slice %arg5[%dma_start3A_12, %dma_start3A_18] : memref<16x100xi32, #tpu.memory_space<vmem>> -> memref<1x100xi32, #tpu.memory_space<vmem>>
    %dma_start3A_20 = tpu.memref_squeeze %dma_start3A_19 : memref<1x100xi32, #tpu.memory_space<vmem>> -> memref<100xi32, #tpu.memory_space<vmem>>
    %dma_start3A_21 = arith.constant 0 : i32
    %dma_start3A_22 = arith.constant 0 : i32
    %dma_start3A_23 = tpu.memref_slice %arg2[%dma_start3A_21, %dma_start3A_22] : memref<100000x32xf32, #tpu.memory_space<hbm>> -> memref<100000x32xf32, #tpu.memory_space<hbm>>
    tpu.enqueue_indirect_dma source(%dma_start3A_23 : memref<100000x32xf32, #tpu.memory_space<hbm>>) target(%dma_start3A_17 : memref<100x32xf32, #tpu.memory_space<vmem>>) offsets(%dma_start3A_20 : memref<100xi32, #tpu.memory_space<vmem>>) semaphore(%arg7 : memref<!tpu.dma_semaphore, #tpu.memory_space<semaphore_mem>>)
    %dma_start3A_24 = arith.constant 2 : i32
    %dma_start3A_25 = arith.constant 2 : i32
    %dma_start3A_26 = arith.constant 0 : i32
    %dma_start3A_27 = arith.constant 0 : i32
    %dma_start3A_28 = tpu.memref_slice %arg6[%dma_start3A_25, %dma_start3A_26, %dma_start3A_27] : memref<16x100x32xf32, #tpu.memory_space<vmem>> -> memref<1x100x32xf32, #tpu.memory_space<vmem>>
    %dma_start3A_29 = tpu.memref_squeeze %dma_start3A_28 : memref<1x100x32xf32, #tpu.memory_space<vmem>> -> memref<100x32xf32, #tpu.memory_space<vmem>>
    %dma_start3A_30 = arith.constant 0 : i32
    %dma_start3A_31 = tpu.memref_slice %arg5[%dma_start3A_24, %dma_start3A_30] : memref<16x100xi32, #tpu.memory_space<vmem>> -> memref<1x100xi32, #tpu.memory_space<vmem>>
    %dma_start3A_32 = tpu.memref_squeeze %dma_start3A_31 : memref<1x100xi32, #tpu.memory_space<vmem>> -> memref<100xi32, #tpu.memory_space<vmem>>
    %dma_start3A_33 = arith.constant 0 : i32
    %dma_start3A_34 = arith.constant 0 : i32
    %dma_start3A_35 = tpu.memref_slice %arg2[%dma_start3A_33, %dma_start3A_34] : memref<100000x32xf32, #tpu.memory_space<hbm>> -> memref<100000x32xf32, #tpu.memory_space<hbm>>
    tpu.enqueue_indirect_dma source(%dma_start3A_35 : memref<100000x32xf32, #tpu.memory_space<hbm>>) target(%dma_start3A_29 : memref<100x32xf32, #tpu.memory_space<vmem>>) offsets(%dma_start3A_32 : memref<100xi32, #tpu.memory_space<vmem>>) semaphore(%arg7 : memref<!tpu.dma_semaphore, #tpu.memory_space<semaphore_mem>>)
    %dma_start3A_36 = arith.constant 3 : i32
    %dma_start3A_37 = arith.constant 3 : i32
    %dma_start3A_38 = arith.constant 0 : i32
    %dma_start3A_39 = arith.constant 0 : i32
    %dma_start3A_40 = tpu.memref_slice %arg6[%dma_start3A_37, %dma_start3A_38, %dma_start3A_39] : memref<16x100x32xf32, #tpu.memory_space<vmem>> -> memref<1x100x32xf32, #tpu.memory_space<vmem>>
    %dma_start3A_41 = tpu.memref_squeeze %dma_start3A_40 : memref<1x100x32xf32, #tpu.memory_space<vmem>> -> memref<100x32xf32, #tpu.memory_space<vmem>>
    %dma_start3A_42 = arith.constant 0 : i32
    %dma_start3A_43 = tpu.memref_slice %arg5[%dma_start3A_36, %dma_start3A_42] : memref<16x100xi32, #tpu.memory_space<vmem>> -> memref<1x100xi32, #tpu.memory_space<vmem>>
    %dma_start3A_44 = tpu.memref_squeeze %dma_start3A_43 : memref<1x100xi32, #tpu.memory_space<vmem>> -> memref<100xi32, #tpu.memory_space<vmem>>
    %dma_start3A_45 = arith.constant 0 : i32
    %dma_start3A_46 = arith.constant 0 : i32
    %dma_start3A_47 = tpu.memref_slice %arg2[%dma_start3A_45, %dma_start3A_46] : memref<100000x32xf32, #tpu.memory_space<hbm>> -> memref<100000x32xf32, #tpu.memory_space<hbm>>
    tpu.enqueue_indirect_dma source(%dma_start3A_47 : memref<100000x32xf32, #tpu.memory_space<hbm>>) target(%dma_start3A_41 : memref<100x32xf32, #tpu.memory_space<vmem>>) offsets(%dma_start3A_44 : memref<100xi32, #tpu.memory_space<vmem>>) semaphore(%arg7 : memref<!tpu.dma_semaphore, #tpu.memory_space<semaphore_mem>>)
    %dma_start3A_48 = arith.constant 4 : i32
    %dma_start3A_49 = arith.constant 4 : i32
    %dma_start3A_50 = arith.constant 0 : i32
    %dma_start3A_51 = arith.constant 0 : i32
    %dma_start3A_52 = tpu.memref_slice %arg6[%dma_start3A_49, %dma_start3A_50, %dma_start3A_51] : memref<16x100x32xf32, #tpu.memory_space<vmem>> -> memref<1x100x32xf32, #tpu.memory_space<vmem>>
    %dma_start3A_53 = tpu.memref_squeeze %dma_start3A_52 : memref<1x100x32xf32, #tpu.memory_space<vmem>> -> memref<100x32xf32, #tpu.memory_space<vmem>>
    %dma_start3A_54 = arith.constant 0 : i32
    %dma_start3A_55 = tpu.memref_slice %arg5[%dma_start3A_48, %dma_start3A_54] : memref<16x100xi32, #tpu.memory_space<vmem>> -> memref<1x100xi32, #tpu.memory_space<vmem>>
    %dma_start3A_56 = tpu.memref_squeeze %dma_start3A_55 : memref<1x100xi32, #tpu.memory_space<vmem>> -> memref<100xi32, #tpu.memory_space<vmem>>
    %dma_start3A_57 = arith.constant 0 : i32
    %dma_start3A_58 = arith.constant 0 : i32
    %dma_start3A_59 = tpu.memref_slice %arg2[%dma_start3A_57, %dma_start3A_58] : memref<100000x32xf32, #tpu.memory_space<hbm>> -> memref<100000x32xf32, #tpu.memory_space<hbm>>
    tpu.enqueue_indirect_dma source(%dma_start3A_59 : memref<100000x32xf32, #tpu.memory_space<hbm>>) target(%dma_start3A_53 : memref<100x32xf32, #tpu.memory_space<vmem>>) offsets(%dma_start3A_56 : memref<100xi32, #tpu.memory_space<vmem>>) semaphore(%arg7 : memref<!tpu.dma_semaphore, #tpu.memory_space<semaphore_mem>>)
    %dma_start3A_60 = arith.constant 5 : i32
    %dma_start3A_61 = arith.constant 5 : i32
    %dma_start3A_62 = arith.constant 0 : i32
    %dma_start3A_63 = arith.constant 0 : i32
    %dma_start3A_64 = tpu.memref_slice %arg6[%dma_start3A_61, %dma_start3A_62, %dma_start3A_63] : memref<16x100x32xf32, #tpu.memory_space<vmem>> -> memref<1x100x32xf32, #tpu.memory_space<vmem>>
    %dma_start3A_65 = tpu.memref_squeeze %dma_start3A_64 : memref<1x100x32xf32, #tpu.memory_space<vmem>> -> memref<100x32xf32, #tpu.memory_space<vmem>>
    %dma_start3A_66 = arith.constant 0 : i32
    %dma_start3A_67 = tpu.memref_slice %arg5[%dma_start3A_60, %dma_start3A_66] : memref<16x100xi32, #tpu.memory_space<vmem>> -> memref<1x100xi32, #tpu.memory_space<vmem>>
    %dma_start3A_68 = tpu.memref_squeeze %dma_start3A_67 : memref<1x100xi32, #tpu.memory_space<vmem>> -> memref<100xi32, #tpu.memory_space<vmem>>
    %dma_start3A_69 = arith.constant 0 : i32
    %dma_start3A_70 = arith.constant 0 : i32
    %dma_start3A_71 = tpu.memref_slice %arg2[%dma_start3A_69, %dma_start3A_70] : memref<100000x32xf32, #tpu.memory_space<hbm>> -> memref<100000x32xf32, #tpu.memory_space<hbm>>
    tpu.enqueue_indirect_dma source(%dma_start3A_71 : memref<100000x32xf32, #tpu.memory_space<hbm>>) target(%dma_start3A_65 : memref<100x32xf32, #tpu.memory_space<vmem>>) offsets(%dma_start3A_68 : memref<100xi32, #tpu.memory_space<vmem>>) semaphore(%arg7 : memref<!tpu.dma_semaphore, #tpu.memory_space<semaphore_mem>>)
    %dma_start3A_72 = arith.constant 6 : i32
    %dma_start3A_73 = arith.constant 6 : i32
    %dma_start3A_74 = arith.constant 0 : i32
    %dma_start3A_75 = arith.constant 0 : i32
    %dma_start3A_76 = tpu.memref_slice %arg6[%dma_start3A_73, %dma_start3A_74, %dma_start3A_75] : memref<16x100x32xf32, #tpu.memory_space<vmem>> -> memref<1x100x32xf32, #tpu.memory_space<vmem>>
    %dma_start3A_77 = tpu.memref_squeeze %dma_start3A_76 : memref<1x100x32xf32, #tpu.memory_space<vmem>> -> memref<100x32xf32, #tpu.memory_space<vmem>>
    %dma_start3A_78 = arith.constant 0 : i32
    %dma_start3A_79 = tpu.memref_slice %arg5[%dma_start3A_72, %dma_start3A_78] : memref<16x100xi32, #tpu.memory_space<vmem>> -> memref<1x100xi32, #tpu.memory_space<vmem>>
    %dma_start3A_80 = tpu.memref_squeeze %dma_start3A_79 : memref<1x100xi32, #tpu.memory_space<vmem>> -> memref<100xi32, #tpu.memory_space<vmem>>
    %dma_start3A_81 = arith.constant 0 : i32
    %dma_start3A_82 = arith.constant 0 : i32
    %dma_start3A_83 = tpu.memref_slice %arg2[%dma_start3A_81, %dma_start3A_82] : memref<100000x32xf32, #tpu.memory_space<hbm>> -> memref<100000x32xf32, #tpu.memory_space<hbm>>
    tpu.enqueue_indirect_dma source(%dma_start3A_83 : memref<100000x32xf32, #tpu.memory_space<hbm>>) target(%dma_start3A_77 : memref<100x32xf32, #tpu.memory_space<vmem>>) offsets(%dma_start3A_80 : memref<100xi32, #tpu.memory_space<vmem>>) semaphore(%arg7 : memref<!tpu.dma_semaphore, #tpu.memory_space<semaphore_mem>>)
    %dma_start3A_84 = arith.constant 7 : i32
    %dma_start3A_85 = arith.constant 7 : i32
    %dma_start3A_86 = arith.constant 0 : i32
    %dma_start3A_87 = arith.constant 0 : i32
    %dma_start3A_88 = tpu.memref_slice %arg6[%dma_start3A_85, %dma_start3A_86, %dma_start3A_87] : memref<16x100x32xf32, #tpu.memory_space<vmem>> -> memref<1x100x32xf32, #tpu.memory_space<vmem>>
    %dma_start3A_89 = tpu.memref_squeeze %dma_start3A_88 : memref<1x100x32xf32, #tpu.memory_space<vmem>> -> memref<100x32xf32, #tpu.memory_space<vmem>>
    %dma_start3A_90 = arith.constant 0 : i32
    %dma_start3A_91 = tpu.memref_slice %arg5[%dma_start3A_84, %dma_start3A_90] : memref<16x100xi32, #tpu.memory_space<vmem>> -> memref<1x100xi32, #tpu.memory_space<vmem>>
    %dma_start3A_92 = tpu.memref_squeeze %dma_start3A_91 : memref<1x100xi32, #tpu.memory_space<vmem>> -> memref<100xi32, #tpu.memory_space<vmem>>
    %dma_start3A_93 = arith.constant 0 : i32
    %dma_start3A_94 = arith.constant 0 : i32
    %dma_start3A_95 = tpu.memref_slice %arg2[%dma_start3A_93, %dma_start3A_94] : memref<100000x32xf32, #tpu.memory_space<hbm>> -> memref<100000x32xf32, #tpu.memory_space<hbm>>
    tpu.enqueue_indirect_dma source(%dma_start3A_95 : memref<100000x32xf32, #tpu.memory_space<hbm>>) target(%dma_start3A_89 : memref<100x32xf32, #tpu.memory_space<vmem>>) offsets(%dma_start3A_92 : memref<100xi32, #tpu.memory_space<vmem>>) semaphore(%arg7 : memref<!tpu.dma_semaphore, #tpu.memory_space<semaphore_mem>>)
    %dma_start3A_96 = arith.constant 8 : i32
    %dma_start3A_97 = arith.constant 8 : i32
    %dma_start3A_98 = arith.constant 0 : i32
    %dma_start3A_99 = arith.constant 0 : i32
    %dma_start3A_100 = tpu.memref_slice %arg6[%dma_start3A_97, %dma_start3A_98, %dma_start3A_99] : memref<16x100x32xf32, #tpu.memory_space<vmem>> -> memref<1x100x32xf32, #tpu.memory_space<vmem>>
    %dma_start3A_101 = tpu.memref_squeeze %dma_start3A_100 : memref<1x100x32xf32, #tpu.memory_space<vmem>> -> memref<100x32xf32, #tpu.memory_space<vmem>>
    %dma_start3A_102 = arith.constant 0 : i32
    %dma_start3A_103 = tpu.memref_slice %arg5[%dma_start3A_96, %dma_start3A_102] : memref<16x100xi32, #tpu.memory_space<vmem>> -> memref<1x100xi32, #tpu.memory_space<vmem>>
    %dma_start3A_104 = tpu.memref_squeeze %dma_start3A_103 : memref<1x100xi32, #tpu.memory_space<vmem>> -> memref<100xi32, #tpu.memory_space<vmem>>
    %dma_start3A_105 = arith.constant 0 : i32
    %dma_start3A_106 = arith.constant 0 : i32
    %dma_start3A_107 = tpu.memref_slice %arg2[%dma_start3A_105, %dma_start3A_106] : memref<100000x32xf32, #tpu.memory_space<hbm>> -> memref<100000x32xf32, #tpu.memory_space<hbm>>
    tpu.enqueue_indirect_dma source(%dma_start3A_107 : memref<100000x32xf32, #tpu.memory_space<hbm>>) target(%dma_start3A_101 : memref<100x32xf32, #tpu.memory_space<vmem>>) offsets(%dma_start3A_104 : memref<100xi32, #tpu.memory_space<vmem>>) semaphore(%arg7 : memref<!tpu.dma_semaphore, #tpu.memory_space<semaphore_mem>>)
    %dma_start3A_108 = arith.constant 9 : i32
    %dma_start3A_109 = arith.constant 9 : i32
    %dma_start3A_110 = arith.constant 0 : i32
    %dma_start3A_111 = arith.constant 0 : i32
    %dma_start3A_112 = tpu.memref_slice %arg6[%dma_start3A_109, %dma_start3A_110, %dma_start3A_111] : memref<16x100x32xf32, #tpu.memory_space<vmem>> -> memref<1x100x32xf32, #tpu.memory_space<vmem>>
    %dma_start3A_113 = tpu.memref_squeeze %dma_start3A_112 : memref<1x100x32xf32, #tpu.memory_space<vmem>> -> memref<100x32xf32, #tpu.memory_space<vmem>>
    %dma_start3A_114 = arith.constant 0 : i32
    %dma_start3A_115 = tpu.memref_slice %arg5[%dma_start3A_108, %dma_start3A_114] : memref<16x100xi32, #tpu.memory_space<vmem>> -> memref<1x100xi32, #tpu.memory_space<vmem>>
    %dma_start3A_116 = tpu.memref_squeeze %dma_start3A_115 : memref<1x100xi32, #tpu.memory_space<vmem>> -> memref<100xi32, #tpu.memory_space<vmem>>
    %dma_start3A_117 = arith.constant 0 : i32
    %dma_start3A_118 = arith.constant 0 : i32
    %dma_start3A_119 = tpu.memref_slice %arg2[%dma_start3A_117, %dma_start3A_118] : memref<100000x32xf32, #tpu.memory_space<hbm>> -> memref<100000x32xf32, #tpu.memory_space<hbm>>
    tpu.enqueue_indirect_dma source(%dma_start3A_119 : memref<100000x32xf32, #tpu.memory_space<hbm>>) target(%dma_start3A_113 : memref<100x32xf32, #tpu.memory_space<vmem>>) offsets(%dma_start3A_116 : memref<100xi32, #tpu.memory_space<vmem>>) semaphore(%arg7 : memref<!tpu.dma_semaphore, #tpu.memory_space<semaphore_mem>>)
    %dma_start3A_120 = arith.constant 10 : i32
    %dma_start3A_121 = arith.constant 10 : i32
    %dma_start3A_122 = arith.constant 0 : i32
    %dma_start3A_123 = arith.constant 0 : i32
    %dma_start3A_124 = tpu.memref_slice %arg6[%dma_start3A_121, %dma_start3A_122, %dma_start3A_123] : memref<16x100x32xf32, #tpu.memory_space<vmem>> -> memref<1x100x32xf32, #tpu.memory_space<vmem>>
    %dma_start3A_125 = tpu.memref_squeeze %dma_start3A_124 : memref<1x100x32xf32, #tpu.memory_space<vmem>> -> memref<100x32xf32, #tpu.memory_space<vmem>>
    %dma_start3A_126 = arith.constant 0 : i32
    %dma_start3A_127 = tpu.memref_slice %arg5[%dma_start3A_120, %dma_start3A_126] : memref<16x100xi32, #tpu.memory_space<vmem>> -> memref<1x100xi32, #tpu.memory_space<vmem>>
    %dma_start3A_128 = tpu.memref_squeeze %dma_start3A_127 : memref<1x100xi32, #tpu.memory_space<vmem>> -> memref<100xi32, #tpu.memory_space<vmem>>
    %dma_start3A_129 = arith.constant 0 : i32
    %dma_start3A_130 = arith.constant 0 : i32
    %dma_start3A_131 = tpu.memref_slice %arg2[%dma_start3A_129, %dma_start3A_130] : memref<100000x32xf32, #tpu.memory_space<hbm>> -> memref<100000x32xf32, #tpu.memory_space<hbm>>
    tpu.enqueue_indirect_dma source(%dma_start3A_131 : memref<100000x32xf32, #tpu.memory_space<hbm>>) target(%dma_start3A_125 : memref<100x32xf32, #tpu.memory_space<vmem>>) offsets(%dma_start3A_128 : memref<100xi32, #tpu.memory_space<vmem>>) semaphore(%arg7 : memref<!tpu.dma_semaphore, #tpu.memory_space<semaphore_mem>>)
    %dma_start3A_132 = arith.constant 11 : i32
    %dma_start3A_133 = arith.constant 11 : i32
    %dma_start3A_134 = arith.constant 0 : i32
    %dma_start3A_135 = arith.constant 0 : i32
    %dma_start3A_136 = tpu.memref_slice %arg6[%dma_start3A_133, %dma_start3A_134, %dma_start3A_135] : memref<16x100x32xf32, #tpu.memory_space<vmem>> -> memref<1x100x32xf32, #tpu.memory_space<vmem>>
    %dma_start3A_137 = tpu.memref_squeeze %dma_start3A_136 : memref<1x100x32xf32, #tpu.memory_space<vmem>> -> memref<100x32xf32, #tpu.memory_space<vmem>>
    %dma_start3A_138 = arith.constant 0 : i32
    %dma_start3A_139 = tpu.memref_slice %arg5[%dma_start3A_132, %dma_start3A_138] : memref<16x100xi32, #tpu.memory_space<vmem>> -> memref<1x100xi32, #tpu.memory_space<vmem>>
    %dma_start3A_140 = tpu.memref_squeeze %dma_start3A_139 : memref<1x100xi32, #tpu.memory_space<vmem>> -> memref<100xi32, #tpu.memory_space<vmem>>
    %dma_start3A_141 = arith.constant 0 : i32
    %dma_start3A_142 = arith.constant 0 : i32
    %dma_start3A_143 = tpu.memref_slice %arg2[%dma_start3A_141, %dma_start3A_142] : memref<100000x32xf32, #tpu.memory_space<hbm>> -> memref<100000x32xf32, #tpu.memory_space<hbm>>
    tpu.enqueue_indirect_dma source(%dma_start3A_143 : memref<100000x32xf32, #tpu.memory_space<hbm>>) target(%dma_start3A_137 : memref<100x32xf32, #tpu.memory_space<vmem>>) offsets(%dma_start3A_140 : memref<100xi32, #tpu.memory_space<vmem>>) semaphore(%arg7 : memref<!tpu.dma_semaphore, #tpu.memory_space<semaphore_mem>>)
    %dma_start3A_144 = arith.constant 12 : i32
    %dma_start3A_145 = arith.constant 12 : i32
    %dma_start3A_146 = arith.constant 0 : i32
    %dma_start3A_147 = arith.constant 0 : i32
    %dma_start3A_148 = tpu.memref_slice %arg6[%dma_start3A_145, %dma_start3A_146, %dma_start3A_147] : memref<16x100x32xf32, #tpu.memory_space<vmem>> -> memref<1x100x32xf32, #tpu.memory_space<vmem>>
    %dma_start3A_149 = tpu.memref_squeeze %dma_start3A_148 : memref<1x100x32xf32, #tpu.memory_space<vmem>> -> memref<100x32xf32, #tpu.memory_space<vmem>>
    %dma_start3A_150 = arith.constant 0 : i32
    %dma_start3A_151 = tpu.memref_slice %arg5[%dma_start3A_144, %dma_start3A_150] : memref<16x100xi32, #tpu.memory_space<vmem>> -> memref<1x100xi32, #tpu.memory_space<vmem>>
    %dma_start3A_152 = tpu.memref_squeeze %dma_start3A_151 : memref<1x100xi32, #tpu.memory_space<vmem>> -> memref<100xi32, #tpu.memory_space<vmem>>
    %dma_start3A_153 = arith.constant 0 : i32
    %dma_start3A_154 = arith.constant 0 : i32
    %dma_start3A_155 = tpu.memref_slice %arg2[%dma_start3A_153, %dma_start3A_154] : memref<100000x32xf32, #tpu.memory_space<hbm>> -> memref<100000x32xf32, #tpu.memory_space<hbm>>
    tpu.enqueue_indirect_dma source(%dma_start3A_155 : memref<100000x32xf32, #tpu.memory_space<hbm>>) target(%dma_start3A_149 : memref<100x32xf32, #tpu.memory_space<vmem>>) offsets(%dma_start3A_152 : memref<100xi32, #tpu.memory_space<vmem>>) semaphore(%arg7 : memref<!tpu.dma_semaphore, #tpu.memory_space<semaphore_mem>>)
    %dma_start3A_156 = arith.constant 13 : i32
    %dma_start3A_157 = arith.constant 13 : i32
    %dma_start3A_158 = arith.constant 0 : i32
    %dma_start3A_159 = arith.constant 0 : i32
    %dma_start3A_160 = tpu.memref_slice %arg6[%dma_start3A_157, %dma_start3A_158, %dma_start3A_159] : memref<16x100x32xf32, #tpu.memory_space<vmem>> -> memref<1x100x32xf32, #tpu.memory_space<vmem>>
    %dma_start3A_161 = tpu.memref_squeeze %dma_start3A_160 : memref<1x100x32xf32, #tpu.memory_space<vmem>> -> memref<100x32xf32, #tpu.memory_space<vmem>>
    %dma_start3A_162 = arith.constant 0 : i32
    %dma_start3A_163 = tpu.memref_slice %arg5[%dma_start3A_156, %dma_start3A_162] : memref<16x100xi32, #tpu.memory_space<vmem>> -> memref<1x100xi32, #tpu.memory_space<vmem>>
    %dma_start3A_164 = tpu.memref_squeeze %dma_start3A_163 : memref<1x100xi32, #tpu.memory_space<vmem>> -> memref<100xi32, #tpu.memory_space<vmem>>
    %dma_start3A_165 = arith.constant 0 : i32
    %dma_start3A_166 = arith.constant 0 : i32
    %dma_start3A_167 = tpu.memref_slice %arg2[%dma_start3A_165, %dma_start3A_166] : memref<100000x32xf32, #tpu.memory_space<hbm>> -> memref<100000x32xf32, #tpu.memory_space<hbm>>
    tpu.enqueue_indirect_dma source(%dma_start3A_167 : memref<100000x32xf32, #tpu.memory_space<hbm>>) target(%dma_start3A_161 : memref<100x32xf32, #tpu.memory_space<vmem>>) offsets(%dma_start3A_164 : memref<100xi32, #tpu.memory_space<vmem>>) semaphore(%arg7 : memref<!tpu.dma_semaphore, #tpu.memory_space<semaphore_mem>>)
    %dma_start3A_168 = arith.constant 14 : i32
    %dma_start3A_169 = arith.constant 14 : i32
    %dma_start3A_170 = arith.constant 0 : i32
    %dma_start3A_171 = arith.constant 0 : i32
    %dma_start3A_172 = tpu.memref_slice %arg6[%dma_start3A_169, %dma_start3A_170, %dma_start3A_171] : memref<16x100x32xf32, #tpu.memory_space<vmem>> -> memref<1x100x32xf32, #tpu.memory_space<vmem>>
    %dma_start3A_173 = tpu.memref_squeeze %dma_start3A_172 : memref<1x100x32xf32, #tpu.memory_space<vmem>> -> memref<100x32xf32, #tpu.memory_space<vmem>>
    %dma_start3A_174 = arith.constant 0 : i32
    %dma_start3A_175 = tpu.memref_slice %arg5[%dma_start3A_168, %dma_start3A_174] : memref<16x100xi32, #tpu.memory_space<vmem>> -> memref<1x100xi32, #tpu.memory_space<vmem>>
    %dma_start3A_176 = tpu.memref_squeeze %dma_start3A_175 : memref<1x100xi32, #tpu.memory_space<vmem>> -> memref<100xi32, #tpu.memory_space<vmem>>
    %dma_start3A_177 = arith.constant 0 : i32
    %dma_start3A_178 = arith.constant 0 : i32
    %dma_start3A_179 = tpu.memref_slice %arg2[%dma_start3A_177, %dma_start3A_178] : memref<100000x32xf32, #tpu.memory_space<hbm>> -> memref<100000x32xf32, #tpu.memory_space<hbm>>
    tpu.enqueue_indirect_dma source(%dma_start3A_179 : memref<100000x32xf32, #tpu.memory_space<hbm>>) target(%dma_start3A_173 : memref<100x32xf32, #tpu.memory_space<vmem>>) offsets(%dma_start3A_176 : memref<100xi32, #tpu.memory_space<vmem>>) semaphore(%arg7 : memref<!tpu.dma_semaphore, #tpu.memory_space<semaphore_mem>>)
    %dma_start3A_180 = arith.constant 15 : i32
    %dma_start3A_181 = arith.constant 15 : i32
    %dma_start3A_182 = arith.constant 0 : i32
    %dma_start3A_183 = arith.constant 0 : i32
    %dma_start3A_184 = tpu.memref_slice %arg6[%dma_start3A_181, %dma_start3A_182, %dma_start3A_183] : memref<16x100x32xf32, #tpu.memory_space<vmem>> -> memref<1x100x32xf32, #tpu.memory_space<vmem>>
    %dma_start3A_185 = tpu.memref_squeeze %dma_start3A_184 : memref<1x100x32xf32, #tpu.memory_space<vmem>> -> memref<100x32xf32, #tpu.memory_space<vmem>>
    %dma_start3A_186 = arith.constant 0 : i32
    %dma_start3A_187 = tpu.memref_slice %arg5[%dma_start3A_180, %dma_start3A_186] : memref<16x100xi32, #tpu.memory_space<vmem>> -> memref<1x100xi32, #tpu.memory_space<vmem>>
    %dma_start3A_188 = tpu.memref_squeeze %dma_start3A_187 : memref<1x100xi32, #tpu.memory_space<vmem>> -> memref<100xi32, #tpu.memory_space<vmem>>
    %dma_start3A_189 = arith.constant 0 : i32
    %dma_start3A_190 = arith.constant 0 : i32
    %dma_start3A_191 = tpu.memref_slice %arg2[%dma_start3A_189, %dma_start3A_190] : memref<100000x32xf32, #tpu.memory_space<hbm>> -> memref<100000x32xf32, #tpu.memory_space<hbm>>
    tpu.enqueue_indirect_dma source(%dma_start3A_191 : memref<100000x32xf32, #tpu.memory_space<hbm>>) target(%dma_start3A_185 : memref<100x32xf32, #tpu.memory_space<vmem>>) offsets(%dma_start3A_188 : memref<100xi32, #tpu.memory_space<vmem>>) semaphore(%arg7 : memref<!tpu.dma_semaphore, #tpu.memory_space<semaphore_mem>>)
    %dma_wait3A = arith.constant 0 : i32
    %dma_wait3A_192 = arith.constant 0 : i32
    %dma_wait3A_193 = arith.constant 0 : i32
    %dma_wait3A_194 = arith.constant 0 : i32
    %dma_wait3A_195 = tpu.memref_slice %arg6[%dma_wait3A_192, %dma_wait3A_193, %dma_wait3A_194] : memref<16x100x32xf32, #tpu.memory_space<vmem>> -> memref<1x100x32xf32, #tpu.memory_space<vmem>>
    %dma_wait3A_196 = tpu.memref_squeeze %dma_wait3A_195 : memref<1x100x32xf32, #tpu.memory_space<vmem>> -> memref<100x32xf32, #tpu.memory_space<vmem>>
    %dma_wait3A_197 = arith.constant 0 : i32
    %dma_wait3A_198 = tpu.memref_slice %arg5[%dma_wait3A, %dma_wait3A_197] : memref<16x100xi32, #tpu.memory_space<vmem>> -> memref<1x100xi32, #tpu.memory_space<vmem>>
    %dma_wait3A_199 = tpu.memref_squeeze %dma_wait3A_198 : memref<1x100xi32, #tpu.memory_space<vmem>> -> memref<100xi32, #tpu.memory_space<vmem>>
    %dma_wait3A_200 = arith.constant 0 : i32
    %dma_wait3A_201 = arith.constant 0 : i32
    %dma_wait3A_202 = tpu.memref_slice %arg2[%dma_wait3A_200, %dma_wait3A_201] : memref<100000x32xf32, #tpu.memory_space<hbm>> -> memref<100000x32xf32, #tpu.memory_space<hbm>>
    tpu.wait_indirect_dma semaphore(%arg7 : memref<!tpu.dma_semaphore, #tpu.memory_space<semaphore_mem>>) src(%dma_wait3A_202 : memref<100000x32xf32, #tpu.memory_space<hbm>>) dst(%dma_wait3A_196 : memref<100x32xf32, #tpu.memory_space<vmem>>)
    %dma_wait3A_203 = arith.constant 1 : i32
    %dma_wait3A_204 = arith.constant 1 : i32
    %dma_wait3A_205 = arith.constant 0 : i32
    %dma_wait3A_206 = arith.constant 0 : i32
    %dma_wait3A_207 = tpu.memref_slice %arg6[%dma_wait3A_204, %dma_wait3A_205, %dma_wait3A_206] : memref<16x100x32xf32, #tpu.memory_space<vmem>> -> memref<1x100x32xf32, #tpu.memory_space<vmem>>
    %dma_wait3A_208 = tpu.memref_squeeze %dma_wait3A_207 : memref<1x100x32xf32, #tpu.memory_space<vmem>> -> memref<100x32xf32, #tpu.memory_space<vmem>>
    %dma_wait3A_209 = arith.constant 0 : i32
    %dma_wait3A_210 = tpu.memref_slice %arg5[%dma_wait3A_203, %dma_wait3A_209] : memref<16x100xi32, #tpu.memory_space<vmem>> -> memref<1x100xi32, #tpu.memory_space<vmem>>
    %dma_wait3A_211 = tpu.memref_squeeze %dma_wait3A_210 : memref<1x100xi32, #tpu.memory_space<vmem>> -> memref<100xi32, #tpu.memory_space<vmem>>
    %dma_wait3A_212 = arith.constant 0 : i32
    %dma_wait3A_213 = arith.constant 0 : i32
    %dma_wait3A_214 = tpu.memref_slice %arg2[%dma_wait3A_212, %dma_wait3A_213] : memref<100000x32xf32, #tpu.memory_space<hbm>> -> memref<100000x32xf32, #tpu.memory_space<hbm>>
    tpu.wait_indirect_dma semaphore(%arg7 : memref<!tpu.dma_semaphore, #tpu.memory_space<semaphore_mem>>) src(%dma_wait3A_214 : memref<100000x32xf32, #tpu.memory_space<hbm>>) dst(%dma_wait3A_208 : memref<100x32xf32, #tpu.memory_space<vmem>>)
    %dma_wait3A_215 = arith.constant 2 : i32
    %dma_wait3A_216 = arith.constant 2 : i32
    %dma_wait3A_217 = arith.constant 0 : i32
    %dma_wait3A_218 = arith.constant 0 : i32
    %dma_wait3A_219 = tpu.memref_slice %arg6[%dma_wait3A_216, %dma_wait3A_217, %dma_wait3A_218] : memref<16x100x32xf32, #tpu.memory_space<vmem>> -> memref<1x100x32xf32, #tpu.memory_space<vmem>>
    %dma_wait3A_220 = tpu.memref_squeeze %dma_wait3A_219 : memref<1x100x32xf32, #tpu.memory_space<vmem>> -> memref<100x32xf32, #tpu.memory_space<vmem>>
    %dma_wait3A_221 = arith.constant 0 : i32
    %dma_wait3A_222 = tpu.memref_slice %arg5[%dma_wait3A_215, %dma_wait3A_221] : memref<16x100xi32, #tpu.memory_space<vmem>> -> memref<1x100xi32, #tpu.memory_space<vmem>>
    %dma_wait3A_223 = tpu.memref_squeeze %dma_wait3A_222 : memref<1x100xi32, #tpu.memory_space<vmem>> -> memref<100xi32, #tpu.memory_space<vmem>>
    %dma_wait3A_224 = arith.constant 0 : i32
    %dma_wait3A_225 = arith.constant 0 : i32
    %dma_wait3A_226 = tpu.memref_slice %arg2[%dma_wait3A_224, %dma_wait3A_225] : memref<100000x32xf32, #tpu.memory_space<hbm>> -> memref<100000x32xf32, #tpu.memory_space<hbm>>
    tpu.wait_indirect_dma semaphore(%arg7 : memref<!tpu.dma_semaphore, #tpu.memory_space<semaphore_mem>>) src(%dma_wait3A_226 : memref<100000x32xf32, #tpu.memory_space<hbm>>) dst(%dma_wait3A_220 : memref<100x32xf32, #tpu.memory_space<vmem>>)
    %dma_wait3A_227 = arith.constant 3 : i32
    %dma_wait3A_228 = arith.constant 3 : i32
    %dma_wait3A_229 = arith.constant 0 : i32
    %dma_wait3A_230 = arith.constant 0 : i32
    %dma_wait3A_231 = tpu.memref_slice %arg6[%dma_wait3A_228, %dma_wait3A_229, %dma_wait3A_230] : memref<16x100x32xf32, #tpu.memory_space<vmem>> -> memref<1x100x32xf32, #tpu.memory_space<vmem>>
    %dma_wait3A_232 = tpu.memref_squeeze %dma_wait3A_231 : memref<1x100x32xf32, #tpu.memory_space<vmem>> -> memref<100x32xf32, #tpu.memory_space<vmem>>
    %dma_wait3A_233 = arith.constant 0 : i32
    %dma_wait3A_234 = tpu.memref_slice %arg5[%dma_wait3A_227, %dma_wait3A_233] : memref<16x100xi32, #tpu.memory_space<vmem>> -> memref<1x100xi32, #tpu.memory_space<vmem>>
    %dma_wait3A_235 = tpu.memref_squeeze %dma_wait3A_234 : memref<1x100xi32, #tpu.memory_space<vmem>> -> memref<100xi32, #tpu.memory_space<vmem>>
    %dma_wait3A_236 = arith.constant 0 : i32
    %dma_wait3A_237 = arith.constant 0 : i32
    %dma_wait3A_238 = tpu.memref_slice %arg2[%dma_wait3A_236, %dma_wait3A_237] : memref<100000x32xf32, #tpu.memory_space<hbm>> -> memref<100000x32xf32, #tpu.memory_space<hbm>>
    tpu.wait_indirect_dma semaphore(%arg7 : memref<!tpu.dma_semaphore, #tpu.memory_space<semaphore_mem>>) src(%dma_wait3A_238 : memref<100000x32xf32, #tpu.memory_space<hbm>>) dst(%dma_wait3A_232 : memref<100x32xf32, #tpu.memory_space<vmem>>)
    %dma_wait3A_239 = arith.constant 4 : i32
    %dma_wait3A_240 = arith.constant 4 : i32
    %dma_wait3A_241 = arith.constant 0 : i32
    %dma_wait3A_242 = arith.constant 0 : i32
    %dma_wait3A_243 = tpu.memref_slice %arg6[%dma_wait3A_240, %dma_wait3A_241, %dma_wait3A_242] : memref<16x100x32xf32, #tpu.memory_space<vmem>> -> memref<1x100x32xf32, #tpu.memory_space<vmem>>
    %dma_wait3A_244 = tpu.memref_squeeze %dma_wait3A_243 : memref<1x100x32xf32, #tpu.memory_space<vmem>> -> memref<100x32xf32, #tpu.memory_space<vmem>>
    %dma_wait3A_245 = arith.constant 0 : i32
    %dma_wait3A_246 = tpu.memref_slice %arg5[%dma_wait3A_239, %dma_wait3A_245] : memref<16x100xi32, #tpu.memory_space<vmem>> -> memref<1x100xi32, #tpu.memory_space<vmem>>
    %dma_wait3A_247 = tpu.memref_squeeze %dma_wait3A_246 : memref<1x100xi32, #tpu.memory_space<vmem>> -> memref<100xi32, #tpu.memory_space<vmem>>
    %dma_wait3A_248 = arith.constant 0 : i32
    %dma_wait3A_249 = arith.constant 0 : i32
    %dma_wait3A_250 = tpu.memref_slice %arg2[%dma_wait3A_248, %dma_wait3A_249] : memref<100000x32xf32, #tpu.memory_space<hbm>> -> memref<100000x32xf32, #tpu.memory_space<hbm>>
    tpu.wait_indirect_dma semaphore(%arg7 : memref<!tpu.dma_semaphore, #tpu.memory_space<semaphore_mem>>) src(%dma_wait3A_250 : memref<100000x32xf32, #tpu.memory_space<hbm>>) dst(%dma_wait3A_244 : memref<100x32xf32, #tpu.memory_space<vmem>>)
    %dma_wait3A_251 = arith.constant 5 : i32
    %dma_wait3A_252 = arith.constant 5 : i32
    %dma_wait3A_253 = arith.constant 0 : i32
    %dma_wait3A_254 = arith.constant 0 : i32
    %dma_wait3A_255 = tpu.memref_slice %arg6[%dma_wait3A_252, %dma_wait3A_253, %dma_wait3A_254] : memref<16x100x32xf32, #tpu.memory_space<vmem>> -> memref<1x100x32xf32, #tpu.memory_space<vmem>>
    %dma_wait3A_256 = tpu.memref_squeeze %dma_wait3A_255 : memref<1x100x32xf32, #tpu.memory_space<vmem>> -> memref<100x32xf32, #tpu.memory_space<vmem>>
    %dma_wait3A_257 = arith.constant 0 : i32
    %dma_wait3A_258 = tpu.memref_slice %arg5[%dma_wait3A_251, %dma_wait3A_257] : memref<16x100xi32, #tpu.memory_space<vmem>> -> memref<1x100xi32, #tpu.memory_space<vmem>>
    %dma_wait3A_259 = tpu.memref_squeeze %dma_wait3A_258 : memref<1x100xi32, #tpu.memory_space<vmem>> -> memref<100xi32, #tpu.memory_space<vmem>>
    %dma_wait3A_260 = arith.constant 0 : i32
    %dma_wait3A_261 = arith.constant 0 : i32
    %dma_wait3A_262 = tpu.memref_slice %arg2[%dma_wait3A_260, %dma_wait3A_261] : memref<100000x32xf32, #tpu.memory_space<hbm>> -> memref<100000x32xf32, #tpu.memory_space<hbm>>
    tpu.wait_indirect_dma semaphore(%arg7 : memref<!tpu.dma_semaphore, #tpu.memory_space<semaphore_mem>>) src(%dma_wait3A_262 : memref<100000x32xf32, #tpu.memory_space<hbm>>) dst(%dma_wait3A_256 : memref<100x32xf32, #tpu.memory_space<vmem>>)
    %dma_wait3A_263 = arith.constant 6 : i32
    %dma_wait3A_264 = arith.constant 6 : i32
    %dma_wait3A_265 = arith.constant 0 : i32
    %dma_wait3A_266 = arith.constant 0 : i32
    %dma_wait3A_267 = tpu.memref_slice %arg6[%dma_wait3A_264, %dma_wait3A_265, %dma_wait3A_266] : memref<16x100x32xf32, #tpu.memory_space<vmem>> -> memref<1x100x32xf32, #tpu.memory_space<vmem>>
    %dma_wait3A_268 = tpu.memref_squeeze %dma_wait3A_267 : memref<1x100x32xf32, #tpu.memory_space<vmem>> -> memref<100x32xf32, #tpu.memory_space<vmem>>
    %dma_wait3A_269 = arith.constant 0 : i32
    %dma_wait3A_270 = tpu.memref_slice %arg5[%dma_wait3A_263, %dma_wait3A_269] : memref<16x100xi32, #tpu.memory_space<vmem>> -> memref<1x100xi32, #tpu.memory_space<vmem>>
    %dma_wait3A_271 = tpu.memref_squeeze %dma_wait3A_270 : memref<1x100xi32, #tpu.memory_space<vmem>> -> memref<100xi32, #tpu.memory_space<vmem>>
    %dma_wait3A_272 = arith.constant 0 : i32
    %dma_wait3A_273 = arith.constant 0 : i32
    %dma_wait3A_274 = tpu.memref_slice %arg2[%dma_wait3A_272, %dma_wait3A_273] : memref<100000x32xf32, #tpu.memory_space<hbm>> -> memref<100000x32xf32, #tpu.memory_space<hbm>>
    tpu.wait_indirect_dma semaphore(%arg7 : memref<!tpu.dma_semaphore, #tpu.memory_space<semaphore_mem>>) src(%dma_wait3A_274 : memref<100000x32xf32, #tpu.memory_space<hbm>>) dst(%dma_wait3A_268 : memref<100x32xf32, #tpu.memory_space<vmem>>)
    %dma_wait3A_275 = arith.constant 7 : i32
    %dma_wait3A_276 = arith.constant 7 : i32
    %dma_wait3A_277 = arith.constant 0 : i32
    %dma_wait3A_278 = arith.constant 0 : i32
    %dma_wait3A_279 = tpu.memref_slice %arg6[%dma_wait3A_276, %dma_wait3A_277, %dma_wait3A_278] : memref<16x100x32xf32, #tpu.memory_space<vmem>> -> memref<1x100x32xf32, #tpu.memory_space<vmem>>
    %dma_wait3A_280 = tpu.memref_squeeze %dma_wait3A_279 : memref<1x100x32xf32, #tpu.memory_space<vmem>> -> memref<100x32xf32, #tpu.memory_space<vmem>>
    %dma_wait3A_281 = arith.constant 0 : i32
    %dma_wait3A_282 = tpu.memref_slice %arg5[%dma_wait3A_275, %dma_wait3A_281] : memref<16x100xi32, #tpu.memory_space<vmem>> -> memref<1x100xi32, #tpu.memory_space<vmem>>
    %dma_wait3A_283 = tpu.memref_squeeze %dma_wait3A_282 : memref<1x100xi32, #tpu.memory_space<vmem>> -> memref<100xi32, #tpu.memory_space<vmem>>
    %dma_wait3A_284 = arith.constant 0 : i32
    %dma_wait3A_285 = arith.constant 0 : i32
    %dma_wait3A_286 = tpu.memref_slice %arg2[%dma_wait3A_284, %dma_wait3A_285] : memref<100000x32xf32, #tpu.memory_space<hbm>> -> memref<100000x32xf32, #tpu.memory_space<hbm>>
    tpu.wait_indirect_dma semaphore(%arg7 : memref<!tpu.dma_semaphore, #tpu.memory_space<semaphore_mem>>) src(%dma_wait3A_286 : memref<100000x32xf32, #tpu.memory_space<hbm>>) dst(%dma_wait3A_280 : memref<100x32xf32, #tpu.memory_space<vmem>>)
    %dma_wait3A_287 = arith.constant 8 : i32
    %dma_wait3A_288 = arith.constant 8 : i32
    %dma_wait3A_289 = arith.constant 0 : i32
    %dma_wait3A_290 = arith.constant 0 : i32
    %dma_wait3A_291 = tpu.memref_slice %arg6[%dma_wait3A_288, %dma_wait3A_289, %dma_wait3A_290] : memref<16x100x32xf32, #tpu.memory_space<vmem>> -> memref<1x100x32xf32, #tpu.memory_space<vmem>>
    %dma_wait3A_292 = tpu.memref_squeeze %dma_wait3A_291 : memref<1x100x32xf32, #tpu.memory_space<vmem>> -> memref<100x32xf32, #tpu.memory_space<vmem>>
    %dma_wait3A_293 = arith.constant 0 : i32
    %dma_wait3A_294 = tpu.memref_slice %arg5[%dma_wait3A_287, %dma_wait3A_293] : memref<16x100xi32, #tpu.memory_space<vmem>> -> memref<1x100xi32, #tpu.memory_space<vmem>>
    %dma_wait3A_295 = tpu.memref_squeeze %dma_wait3A_294 : memref<1x100xi32, #tpu.memory_space<vmem>> -> memref<100xi32, #tpu.memory_space<vmem>>
    %dma_wait3A_296 = arith.constant 0 : i32
    %dma_wait3A_297 = arith.constant 0 : i32
    %dma_wait3A_298 = tpu.memref_slice %arg2[%dma_wait3A_296, %dma_wait3A_297] : memref<100000x32xf32, #tpu.memory_space<hbm>> -> memref<100000x32xf32, #tpu.memory_space<hbm>>
    tpu.wait_indirect_dma semaphore(%arg7 : memref<!tpu.dma_semaphore, #tpu.memory_space<semaphore_mem>>) src(%dma_wait3A_298 : memref<100000x32xf32, #tpu.memory_space<hbm>>) dst(%dma_wait3A_292 : memref<100x32xf32, #tpu.memory_space<vmem>>)
    %dma_wait3A_299 = arith.constant 9 : i32
    %dma_wait3A_300 = arith.constant 9 : i32
    %dma_wait3A_301 = arith.constant 0 : i32
    %dma_wait3A_302 = arith.constant 0 : i32
    %dma_wait3A_303 = tpu.memref_slice %arg6[%dma_wait3A_300, %dma_wait3A_301, %dma_wait3A_302] : memref<16x100x32xf32, #tpu.memory_space<vmem>> -> memref<1x100x32xf32, #tpu.memory_space<vmem>>
    %dma_wait3A_304 = tpu.memref_squeeze %dma_wait3A_303 : memref<1x100x32xf32, #tpu.memory_space<vmem>> -> memref<100x32xf32, #tpu.memory_space<vmem>>
    %dma_wait3A_305 = arith.constant 0 : i32
    %dma_wait3A_306 = tpu.memref_slice %arg5[%dma_wait3A_299, %dma_wait3A_305] : memref<16x100xi32, #tpu.memory_space<vmem>> -> memref<1x100xi32, #tpu.memory_space<vmem>>
    %dma_wait3A_307 = tpu.memref_squeeze %dma_wait3A_306 : memref<1x100xi32, #tpu.memory_space<vmem>> -> memref<100xi32, #tpu.memory_space<vmem>>
    %dma_wait3A_308 = arith.constant 0 : i32
    %dma_wait3A_309 = arith.constant 0 : i32
    %dma_wait3A_310 = tpu.memref_slice %arg2[%dma_wait3A_308, %dma_wait3A_309] : memref<100000x32xf32, #tpu.memory_space<hbm>> -> memref<100000x32xf32, #tpu.memory_space<hbm>>
    tpu.wait_indirect_dma semaphore(%arg7 : memref<!tpu.dma_semaphore, #tpu.memory_space<semaphore_mem>>) src(%dma_wait3A_310 : memref<100000x32xf32, #tpu.memory_space<hbm>>) dst(%dma_wait3A_304 : memref<100x32xf32, #tpu.memory_space<vmem>>)
    %dma_wait3A_311 = arith.constant 10 : i32
    %dma_wait3A_312 = arith.constant 10 : i32
    %dma_wait3A_313 = arith.constant 0 : i32
    %dma_wait3A_314 = arith.constant 0 : i32
    %dma_wait3A_315 = tpu.memref_slice %arg6[%dma_wait3A_312, %dma_wait3A_313, %dma_wait3A_314] : memref<16x100x32xf32, #tpu.memory_space<vmem>> -> memref<1x100x32xf32, #tpu.memory_space<vmem>>
    %dma_wait3A_316 = tpu.memref_squeeze %dma_wait3A_315 : memref<1x100x32xf32, #tpu.memory_space<vmem>> -> memref<100x32xf32, #tpu.memory_space<vmem>>
    %dma_wait3A_317 = arith.constant 0 : i32
    %dma_wait3A_318 = tpu.memref_slice %arg5[%dma_wait3A_311, %dma_wait3A_317] : memref<16x100xi32, #tpu.memory_space<vmem>> -> memref<1x100xi32, #tpu.memory_space<vmem>>
    %dma_wait3A_319 = tpu.memref_squeeze %dma_wait3A_318 : memref<1x100xi32, #tpu.memory_space<vmem>> -> memref<100xi32, #tpu.memory_space<vmem>>
    %dma_wait3A_320 = arith.constant 0 : i32
    %dma_wait3A_321 = arith.constant 0 : i32
    %dma_wait3A_322 = tpu.memref_slice %arg2[%dma_wait3A_320, %dma_wait3A_321] : memref<100000x32xf32, #tpu.memory_space<hbm>> -> memref<100000x32xf32, #tpu.memory_space<hbm>>
    tpu.wait_indirect_dma semaphore(%arg7 : memref<!tpu.dma_semaphore, #tpu.memory_space<semaphore_mem>>) src(%dma_wait3A_322 : memref<100000x32xf32, #tpu.memory_space<hbm>>) dst(%dma_wait3A_316 : memref<100x32xf32, #tpu.memory_space<vmem>>)
    %dma_wait3A_323 = arith.constant 11 : i32
    %dma_wait3A_324 = arith.constant 11 : i32
    %dma_wait3A_325 = arith.constant 0 : i32
    %dma_wait3A_326 = arith.constant 0 : i32
    %dma_wait3A_327 = tpu.memref_slice %arg6[%dma_wait3A_324, %dma_wait3A_325, %dma_wait3A_326] : memref<16x100x32xf32, #tpu.memory_space<vmem>> -> memref<1x100x32xf32, #tpu.memory_space<vmem>>
    %dma_wait3A_328 = tpu.memref_squeeze %dma_wait3A_327 : memref<1x100x32xf32, #tpu.memory_space<vmem>> -> memref<100x32xf32, #tpu.memory_space<vmem>>
    %dma_wait3A_329 = arith.constant 0 : i32
    %dma_wait3A_330 = tpu.memref_slice %arg5[%dma_wait3A_323, %dma_wait3A_329] : memref<16x100xi32, #tpu.memory_space<vmem>> -> memref<1x100xi32, #tpu.memory_space<vmem>>
    %dma_wait3A_331 = tpu.memref_squeeze %dma_wait3A_330 : memref<1x100xi32, #tpu.memory_space<vmem>> -> memref<100xi32, #tpu.memory_space<vmem>>
    %dma_wait3A_332 = arith.constant 0 : i32
    %dma_wait3A_333 = arith.constant 0 : i32
    %dma_wait3A_334 = tpu.memref_slice %arg2[%dma_wait3A_332, %dma_wait3A_333] : memref<100000x32xf32, #tpu.memory_space<hbm>> -> memref<100000x32xf32, #tpu.memory_space<hbm>>
    tpu.wait_indirect_dma semaphore(%arg7 : memref<!tpu.dma_semaphore, #tpu.memory_space<semaphore_mem>>) src(%dma_wait3A_334 : memref<100000x32xf32, #tpu.memory_space<hbm>>) dst(%dma_wait3A_328 : memref<100x32xf32, #tpu.memory_space<vmem>>)
    %dma_wait3A_335 = arith.constant 12 : i32
    %dma_wait3A_336 = arith.constant 12 : i32
    %dma_wait3A_337 = arith.constant 0 : i32
    %dma_wait3A_338 = arith.constant 0 : i32
    %dma_wait3A_339 = tpu.memref_slice %arg6[%dma_wait3A_336, %dma_wait3A_337, %dma_wait3A_338] : memref<16x100x32xf32, #tpu.memory_space<vmem>> -> memref<1x100x32xf32, #tpu.memory_space<vmem>>
    %dma_wait3A_340 = tpu.memref_squeeze %dma_wait3A_339 : memref<1x100x32xf32, #tpu.memory_space<vmem>> -> memref<100x32xf32, #tpu.memory_space<vmem>>
    %dma_wait3A_341 = arith.constant 0 : i32
    %dma_wait3A_342 = tpu.memref_slice %arg5[%dma_wait3A_335, %dma_wait3A_341] : memref<16x100xi32, #tpu.memory_space<vmem>> -> memref<1x100xi32, #tpu.memory_space<vmem>>
    %dma_wait3A_343 = tpu.memref_squeeze %dma_wait3A_342 : memref<1x100xi32, #tpu.memory_space<vmem>> -> memref<100xi32, #tpu.memory_space<vmem>>
    %dma_wait3A_344 = arith.constant 0 : i32
    %dma_wait3A_345 = arith.constant 0 : i32
    %dma_wait3A_346 = tpu.memref_slice %arg2[%dma_wait3A_344, %dma_wait3A_345] : memref<100000x32xf32, #tpu.memory_space<hbm>> -> memref<100000x32xf32, #tpu.memory_space<hbm>>
    tpu.wait_indirect_dma semaphore(%arg7 : memref<!tpu.dma_semaphore, #tpu.memory_space<semaphore_mem>>) src(%dma_wait3A_346 : memref<100000x32xf32, #tpu.memory_space<hbm>>) dst(%dma_wait3A_340 : memref<100x32xf32, #tpu.memory_space<vmem>>)
    %dma_wait3A_347 = arith.constant 13 : i32
    %dma_wait3A_348 = arith.constant 13 : i32
    %dma_wait3A_349 = arith.constant 0 : i32
    %dma_wait3A_350 = arith.constant 0 : i32
    %dma_wait3A_351 = tpu.memref_slice %arg6[%dma_wait3A_348, %dma_wait3A_349, %dma_wait3A_350] : memref<16x100x32xf32, #tpu.memory_space<vmem>> -> memref<1x100x32xf32, #tpu.memory_space<vmem>>
    %dma_wait3A_352 = tpu.memref_squeeze %dma_wait3A_351 : memref<1x100x32xf32, #tpu.memory_space<vmem>> -> memref<100x32xf32, #tpu.memory_space<vmem>>
    %dma_wait3A_353 = arith.constant 0 : i32
    %dma_wait3A_354 = tpu.memref_slice %arg5[%dma_wait3A_347, %dma_wait3A_353] : memref<16x100xi32, #tpu.memory_space<vmem>> -> memref<1x100xi32, #tpu.memory_space<vmem>>
    %dma_wait3A_355 = tpu.memref_squeeze %dma_wait3A_354 : memref<1x100xi32, #tpu.memory_space<vmem>> -> memref<100xi32, #tpu.memory_space<vmem>>
    %dma_wait3A_356 = arith.constant 0 : i32
    %dma_wait3A_357 = arith.constant 0 : i32
    %dma_wait3A_358 = tpu.memref_slice %arg2[%dma_wait3A_356, %dma_wait3A_357] : memref<100000x32xf32, #tpu.memory_space<hbm>> -> memref<100000x32xf32, #tpu.memory_space<hbm>>
    tpu.wait_indirect_dma semaphore(%arg7 : memref<!tpu.dma_semaphore, #tpu.memory_space<semaphore_mem>>) src(%dma_wait3A_358 : memref<100000x32xf32, #tpu.memory_space<hbm>>) dst(%dma_wait3A_352 : memref<100x32xf32, #tpu.memory_space<vmem>>)
    %dma_wait3A_359 = arith.constant 14 : i32
    %dma_wait3A_360 = arith.constant 14 : i32
    %dma_wait3A_361 = arith.constant 0 : i32
    %dma_wait3A_362 = arith.constant 0 : i32
    %dma_wait3A_363 = tpu.memref_slice %arg6[%dma_wait3A_360, %dma_wait3A_361, %dma_wait3A_362] : memref<16x100x32xf32, #tpu.memory_space<vmem>> -> memref<1x100x32xf32, #tpu.memory_space<vmem>>
    %dma_wait3A_364 = tpu.memref_squeeze %dma_wait3A_363 : memref<1x100x32xf32, #tpu.memory_space<vmem>> -> memref<100x32xf32, #tpu.memory_space<vmem>>
    %dma_wait3A_365 = arith.constant 0 : i32
    %dma_wait3A_366 = tpu.memref_slice %arg5[%dma_wait3A_359, %dma_wait3A_365] : memref<16x100xi32, #tpu.memory_space<vmem>> -> memref<1x100xi32, #tpu.memory_space<vmem>>
    %dma_wait3A_367 = tpu.memref_squeeze %dma_wait3A_366 : memref<1x100xi32, #tpu.memory_space<vmem>> -> memref<100xi32, #tpu.memory_space<vmem>>
    %dma_wait3A_368 = arith.constant 0 : i32
    %dma_wait3A_369 = arith.constant 0 : i32
    %dma_wait3A_370 = tpu.memref_slice %arg2[%dma_wait3A_368, %dma_wait3A_369] : memref<100000x32xf32, #tpu.memory_space<hbm>> -> memref<100000x32xf32, #tpu.memory_space<hbm>>
    tpu.wait_indirect_dma semaphore(%arg7 : memref<!tpu.dma_semaphore, #tpu.memory_space<semaphore_mem>>) src(%dma_wait3A_370 : memref<100000x32xf32, #tpu.memory_space<hbm>>) dst(%dma_wait3A_364 : memref<100x32xf32, #tpu.memory_space<vmem>>)
    %dma_wait3A_371 = arith.constant 15 : i32
    %dma_wait3A_372 = arith.constant 15 : i32
    %dma_wait3A_373 = arith.constant 0 : i32
    %dma_wait3A_374 = arith.constant 0 : i32
    %dma_wait3A_375 = tpu.memref_slice %arg6[%dma_wait3A_372, %dma_wait3A_373, %dma_wait3A_374] : memref<16x100x32xf32, #tpu.memory_space<vmem>> -> memref<1x100x32xf32, #tpu.memory_space<vmem>>
    %dma_wait3A_376 = tpu.memref_squeeze %dma_wait3A_375 : memref<1x100x32xf32, #tpu.memory_space<vmem>> -> memref<100x32xf32, #tpu.memory_space<vmem>>
    %dma_wait3A_377 = arith.constant 0 : i32
    %dma_wait3A_378 = tpu.memref_slice %arg5[%dma_wait3A_371, %dma_wait3A_377] : memref<16x100xi32, #tpu.memory_space<vmem>> -> memref<1x100xi32, #tpu.memory_space<vmem>>
    %dma_wait3A_379 = tpu.memref_squeeze %dma_wait3A_378 : memref<1x100xi32, #tpu.memory_space<vmem>> -> memref<100xi32, #tpu.memory_space<vmem>>
    %dma_wait3A_380 = arith.constant 0 : i32
    %dma_wait3A_381 = arith.constant 0 : i32
    %dma_wait3A_382 = tpu.memref_slice %arg2[%dma_wait3A_380, %dma_wait3A_381] : memref<100000x32xf32, #tpu.memory_space<hbm>> -> memref<100000x32xf32, #tpu.memory_space<hbm>>
    tpu.wait_indirect_dma semaphore(%arg7 : memref<!tpu.dma_semaphore, #tpu.memory_space<semaphore_mem>>) src(%dma_wait3A_382 : memref<100000x32xf32, #tpu.memory_space<hbm>>) dst(%dma_wait3A_376 : memref<100x32xf32, #tpu.memory_space<vmem>>)
    "tpu.region"() ({
      %run_scoped3A = tpu.sem_alloc : memref<!tpu.dma_semaphore, #tpu.memory_space<semaphore_mem>>
      %dma_start3A_383 = arith.constant 0 : i32
      %dma_start3A_384 = arith.constant 0 : i32
      %dma_start3A_385 = arith.constant 0 : i32
      %dma_start3A_386 = tpu.memref_slice %arg4[%add3A, %dma_start3A_383, %dma_start3A_384, %dma_start3A_385] : memref<32x16x100x32xf32, #tpu.memory_space<hbm>> -> memref<1x16x100x32xf32, #tpu.memory_space<hbm>>
      %dma_start3A_387 = tpu.memref_squeeze %dma_start3A_386 : memref<1x16x100x32xf32, #tpu.memory_space<hbm>> -> memref<16x100x32xf32, #tpu.memory_space<hbm>>
      %dma_start3A_388 = arith.constant 0 : i32
      %dma_start3A_389 = arith.constant 0 : i32
      %dma_start3A_390 = arith.constant 0 : i32
      %dma_start3A_391 = tpu.memref_slice %arg4[%add3A, %dma_start3A_388, %dma_start3A_389, %dma_start3A_390] : memref<32x16x100x32xf32, #tpu.memory_space<hbm>> -> memref<1x16x100x32xf32, #tpu.memory_space<hbm>>
      %dma_start3A_392 = tpu.memref_squeeze %dma_start3A_391 : memref<1x16x100x32xf32, #tpu.memory_space<hbm>> -> memref<16x100x32xf32, #tpu.memory_space<hbm>>
      tpu.enqueue_dma source(%arg6 : memref<16x100x32xf32, #tpu.memory_space<vmem>>) target(%dma_start3A_392 : memref<16x100x32xf32, #tpu.memory_space<hbm>>) target_semaphore(%run_scoped3A : memref<!tpu.dma_semaphore, #tpu.memory_space<semaphore_mem>>)
      %dma_wait3A_393 = arith.constant 0 : i32
      %dma_wait3A_394 = arith.constant 0 : i32
      %dma_wait3A_395 = arith.constant 0 : i32
      %dma_wait3A_396 = tpu.memref_slice %arg4[%add3A, %dma_wait3A_393, %dma_wait3A_394, %dma_wait3A_395] : memref<32x16x100x32xf32, #tpu.memory_space<hbm>> -> memref<1x16x100x32xf32, #tpu.memory_space<hbm>>
      %dma_wait3A_397 = tpu.memref_squeeze %dma_wait3A_396 : memref<1x16x100x32xf32, #tpu.memory_space<hbm>> -> memref<16x100x32xf32, #tpu.memory_space<hbm>>
      %dma_wait3A_398 = arith.constant 0 : i32
      %dma_wait3A_399 = arith.constant 0 : i32
      %dma_wait3A_400 = arith.constant 0 : i32
      %dma_wait3A_401 = tpu.memref_slice %arg4[%add3A, %dma_wait3A_398, %dma_wait3A_399, %dma_wait3A_400] : memref<32x16x100x32xf32, #tpu.memory_space<hbm>> -> memref<1x16x100x32xf32, #tpu.memory_space<hbm>>
      %dma_wait3A_402 = tpu.memref_squeeze %dma_wait3A_401 : memref<1x16x100x32xf32, #tpu.memory_space<hbm>> -> memref<16x100x32xf32, #tpu.memory_space<hbm>>
      tpu.wait_dma2 semaphore(%run_scoped3A : memref<!tpu.dma_semaphore, #tpu.memory_space<semaphore_mem>>) src(%arg6 : memref<16x100x32xf32, #tpu.memory_space<vmem>>) dst(%dma_wait3A_402 : memref<16x100x32xf32, #tpu.memory_space<hbm>>)
      tpu.yield
    }) : () -> ()
    return
  }
}

module attributes {stable_mosaic.version = 14 : i64} {
  func.func @_gru_body(%arg0: memref<51200x32xf32, #tpu.memory_space<vmem>>, %arg1: memref<32x192xf32, #tpu.memory_space<vmem>>, %arg2: memref<64x192xf32, #tpu.memory_space<vmem>>, %arg3: memref<1x192xf32, #tpu.memory_space<vmem>>, %arg4: memref<1x192xf32, #tpu.memory_space<vmem>>, %arg5: memref<1024x64xf32, #tpu.memory_space<vmem>>) attributes {dimension_semantics = [], scalar_prefetch = 0 : i64, scratch_operands = 0 : i64, tpu.core_type = #tpu.core_type<tc>} {
    %get3A = arith.constant 0 : index
    %get3A_0 = arith.constant 0 : index
    %get3A_1 = vector.load %arg1[%get3A, %get3A_0] : memref<32x192xf32, #tpu.memory_space<vmem>>, vector<32x192xf32>
    %get3A_2 = arith.constant 0 : index
    %get3A_3 = arith.constant 0 : index
    %get3A_4 = vector.load %arg2[%get3A_2, %get3A_3] : memref<64x192xf32, #tpu.memory_space<vmem>>, vector<64x192xf32>
    %get3A_5 = arith.constant 0 : index
    %get3A_6 = arith.constant 0 : index
    %get3A_7 = vector.load %arg3[%get3A_5, %get3A_6] : memref<1x192xf32, #tpu.memory_space<vmem>>, vector<1x192xf32>
    %get3A_8 = arith.constant 0 : index
    %get3A_9 = arith.constant 0 : index
    %get3A_10 = vector.load %arg4[%get3A_8, %get3A_9] : memref<1x192xf32, #tpu.memory_space<vmem>>, vector<1x192xf32>
    %broadcast_in_dim3A = arith.constant 0.000000e+00 : f32
    %broadcast_in_dim3A_11 = vector.broadcast %broadcast_in_dim3A : f32 to vector<1024x64xf32>
    %scan3A = arith.constant 0 : i32
    %scan3A_12 = arith.constant 50 : i32
    %scan3A_13 = arith.addi %scan3A, %scan3A_12 : i32
    %scan3A_14 = arith.constant 1 : i32
    %scan3A_15 = scf.for %scan3A_19 = %scan3A to %scan3A_13 step %scan3A_14 iter_args(%scan3A_20 = %broadcast_in_dim3A_11) -> (vector<1024x64xf32>)  : i32 {
      %mul3A = arith.constant 1024 : i32
      %mul3A_21 = arith.muli %scan3A_19, %mul3A : i32
      %get3A_22 = arith.index_cast %mul3A_21 : i32 to index
      %get3A_23 = arith.constant 0 : index
      %get3A_24 = vector.load %arg0[%get3A_22, %get3A_23] : memref<51200x32xf32, #tpu.memory_space<vmem>>, vector<1024x32xf32>
      %dot_general3A = arith.constant dense<0.000000e+00> : vector<1024x192xf32>
      %dot_general3A_25 = tpu.matmul %get3A_24, %get3A_1, %dot_general3A {dimension_numbers = #tpu.dot_dimension_numbers<[1], [0], [0], [1], [0, 0, 1, 1], [], []>, transpose_lhs_hint = false} : vector<1024x32xf32>, vector<32x192xf32>, vector<1024x192xf32> -> vector<1024x192xf32>
      %add3A = vector.broadcast %get3A_7 : vector<1x192xf32> to vector<1024x192xf32>
      %add3A_26 = arith.addf %dot_general3A_25, %add3A : vector<1024x192xf32>
      %dot_general3A_27 = arith.constant dense<0.000000e+00> : vector<1024x192xf32>
      %dot_general3A_28 = tpu.matmul %scan3A_20, %get3A_4, %dot_general3A_27 {dimension_numbers = #tpu.dot_dimension_numbers<[1], [0], [0], [1], [0, 0, 1, 1], [], []>, transpose_lhs_hint = false} : vector<1024x64xf32>, vector<64x192xf32>, vector<1024x192xf32> -> vector<1024x192xf32>
      %add3A_29 = vector.broadcast %get3A_10 : vector<1x192xf32> to vector<1024x192xf32>
      %add3A_30 = arith.addf %dot_general3A_28, %add3A_29 : vector<1024x192xf32>
      %slice3A = vector.extract_strided_slice %add3A_26 {offsets = [0, 0], sizes = [1024, 64], strides = [1, 1]} : vector<1024x192xf32> to vector<1024x64xf32>
      %slice3A_31 = vector.extract_strided_slice %add3A_30 {offsets = [0, 0], sizes = [1024, 64], strides = [1, 1]} : vector<1024x192xf32> to vector<1024x64xf32>
      %add3A_32 = arith.addf %slice3A, %slice3A_31 : vector<1024x64xf32>
      %logistic3A = arith.negf %add3A_32 : vector<1024x64xf32>
      %logistic3A_33 = math.exp %logistic3A : vector<1024x64xf32>
      %logistic3A_34 = arith.constant 1.000000e+00 : f32
      %logistic3A_35 = vector.broadcast %logistic3A_34 : f32 to vector<1024x64xf32>
      %logistic3A_36 = arith.addf %logistic3A_35, %logistic3A_33 : vector<1024x64xf32>
      %logistic3A_37 = arith.divf %logistic3A_35, %logistic3A_36 : vector<1024x64xf32>
      %slice3A_38 = vector.extract_strided_slice %add3A_26 {offsets = [0, 64], sizes = [1024, 64], strides = [1, 1]} : vector<1024x192xf32> to vector<1024x64xf32>
      %slice3A_39 = vector.extract_strided_slice %add3A_30 {offsets = [0, 64], sizes = [1024, 64], strides = [1, 1]} : vector<1024x192xf32> to vector<1024x64xf32>
      %add3A_40 = arith.addf %slice3A_38, %slice3A_39 : vector<1024x64xf32>
      %logistic3A_41 = arith.negf %add3A_40 : vector<1024x64xf32>
      %logistic3A_42 = math.exp %logistic3A_41 : vector<1024x64xf32>
      %logistic3A_43 = arith.constant 1.000000e+00 : f32
      %logistic3A_44 = vector.broadcast %logistic3A_43 : f32 to vector<1024x64xf32>
      %logistic3A_45 = arith.addf %logistic3A_44, %logistic3A_42 : vector<1024x64xf32>
      %logistic3A_46 = arith.divf %logistic3A_44, %logistic3A_45 : vector<1024x64xf32>
      %slice3A_47 = vector.extract_strided_slice %add3A_26 {offsets = [0, 128], sizes = [1024, 64], strides = [1, 1]} : vector<1024x192xf32> to vector<1024x64xf32>
      %slice3A_48 = vector.extract_strided_slice %add3A_30 {offsets = [0, 128], sizes = [1024, 64], strides = [1, 1]} : vector<1024x192xf32> to vector<1024x64xf32>
      %mul3A_49 = arith.mulf %logistic3A_37, %slice3A_48 : vector<1024x64xf32>
      %add3A_50 = arith.addf %slice3A_47, %mul3A_49 : vector<1024x64xf32>
      %tanh3A = math.tanh %add3A_50 : vector<1024x64xf32>
      %sub3A = arith.constant 1.000000e+00 : f32
      %sub3A_51 = vector.broadcast %sub3A : f32 to vector<1024x64xf32>
      %sub3A_52 = arith.subf %sub3A_51, %logistic3A_46 : vector<1024x64xf32>
      %mul3A_53 = arith.mulf %sub3A_52, %tanh3A : vector<1024x64xf32>
      %mul3A_54 = arith.mulf %logistic3A_46, %scan3A_20 : vector<1024x64xf32>
      %add3A_55 = arith.addf %mul3A_53, %mul3A_54 : vector<1024x64xf32>
      scf.yield %add3A_55 : vector<1024x64xf32>
    }
    %scan3A_16 = arith.constant 50 : i32
    %swap3A = arith.constant 0 : index
    %swap3A_17 = arith.constant 0 : index
    %swap3A_18 = vector.load %arg5[%swap3A, %swap3A_17] : memref<1024x64xf32, #tpu.memory_space<vmem>>, vector<1024x64xf32>
    tpu.vector_store %arg5[%swap3A, %swap3A_17], %scan3A_15 {strides = array<i32>} : memref<1024x64xf32, #tpu.memory_space<vmem>>, vector<1024x64xf32>,
    return
  }
}

module attributes {stable_mosaic.version = 14 : i64} {
  func.func @_fc_body(%arg0: i32, %arg1: memref<1024x64xf32, #tpu.memory_space<vmem>>, %arg2: memref<2048x64xf32, #tpu.memory_space<vmem>>, %arg3: memref<1x2048xf32, #tpu.memory_space<vmem>>, %arg4: memref<1024x2048xf32, #tpu.memory_space<vmem>>) attributes {dimension_semantics = [#tpu.dimension_semantics<arbitrary>], iteration_bounds = array<i64: 49>, scalar_prefetch = 0 : i64, scratch_operands = 0 : i64, tpu.core_type = #tpu.core_type<tc>, window_params = [{pipeline_mode = #tpu.pipeline_mode<synchronous>, transform_indices = @transform_0, window_bounds = array<i64: 1024, 64>}, {transform_indices = @transform_1, window_bounds = array<i64: 2048, 64>}, {transform_indices = @transform_2, window_bounds = array<i64: 1, 2048>}, {transform_indices = @transform_3, window_bounds = array<i64: 1024, 2048>}]} {
    %get3A = arith.constant 0 : index
    %get3A_0 = arith.constant 0 : index
    %get3A_1 = vector.load %arg1[%get3A, %get3A_0] : memref<1024x64xf32, #tpu.memory_space<vmem>>, vector<1024x64xf32>
    %get3A_2 = arith.constant 0 : index
    %get3A_3 = arith.constant 0 : index
    %get3A_4 = vector.load %arg2[%get3A_2, %get3A_3] : memref<2048x64xf32, #tpu.memory_space<vmem>>, vector<2048x64xf32>
    %dot_general3A = arith.constant dense<0.000000e+00> : vector<1024x2048xf32>
    %dot_general3A_5 = tpu.matmul %get3A_1, %get3A_4, %dot_general3A {dimension_numbers = #tpu.dot_dimension_numbers<[1], [1], [0], [0], [0, 0, 1, 0], [], []>, transpose_lhs_hint = false} : vector<1024x64xf32>, vector<2048x64xf32>, vector<1024x2048xf32> -> vector<1024x2048xf32>
    %get3A_6 = arith.constant 0 : index
    %get3A_7 = arith.constant 0 : index
    %get3A_8 = vector.load %arg3[%get3A_6, %get3A_7] : memref<1x2048xf32, #tpu.memory_space<vmem>>, vector<1x2048xf32>
    %add3A = vector.broadcast %get3A_8 : vector<1x2048xf32> to vector<1024x2048xf32>
    %add3A_9 = arith.addf %dot_general3A_5, %add3A : vector<1024x2048xf32>
    %swap3A = arith.constant 0 : index
    %swap3A_10 = arith.constant 0 : index
    %swap3A_11 = vector.load %arg4[%swap3A, %swap3A_10] : memref<1024x2048xf32, #tpu.memory_space<vmem>>, vector<1024x2048xf32>
    tpu.vector_store %arg4[%swap3A, %swap3A_10], %add3A_9 {strides = array<i32>} : memref<1024x2048xf32, #tpu.memory_space<vmem>>, vector<1024x2048xf32>,
    return
  }
  func.func @transform_0(%arg0: i32) -> (i32, i32) {
    %c0_i32 = arith.constant 0 : i32
    %c0_i32_0 = arith.constant 0 : i32
    %c0_i32_1 = arith.constant 0 : i32
    return %c0_i32, %c0_i32_0 : i32, i32
  }
  func.func @transform_1(%arg0: i32) -> (i32, i32) {
    %c0_i32 = arith.constant 0 : i32
    %c0_i32_0 = arith.constant 0 : i32
    return %arg0, %c0_i32 : i32, i32
  }
  func.func @transform_2(%arg0: i32) -> (i32, i32) {
    %c0_i32 = arith.constant 0 : i32
    %c0_i32_0 = arith.constant 0 : i32
    return %c0_i32, %arg0 : i32, i32
  }
  func.func @transform_3(%arg0: i32) -> (i32, i32) {
    %c0_i32 = arith.constant 0 : i32
    %c0_i32_0 = arith.constant 0 : i32
    return %c0_i32, %arg0 : i32, i32
  }
}

</mosaic_0001>

<sc_bundles>
// kernel: kernel.5.cloned.1.call-start
scs
__scs_entry_jumppad:
0x0: {  	(pc) =	sbr.rel $0x88, $3  }
0x1: {  	(tag) =	ssettag $0x0;
	lr =	simm.s32 $0x1  }
0x2: {  	[smem:$0x3F99] =	sst lr;
	_ =	strace $0xD0000000  }
0x3: {  	_ = 	snop  }
0x4: {  	_ = 	snop  }
0x5: {  	_ = 	snop  }
0x6: {  	_ = 	snop  }
0x7: {  	_ = 	snop  }
__scs_overlays_trampoline_lowered:
0x8: {  	[smem:$0x3FA8] =	sst s0  }
0x9: {  	[smem:$0x3FA9] =	sst s1  }
0xa: {  	[smem:$0x3FAA] =	sst s2  }
0xb: {  	[smem:$0x3FAB] =	sst s3  }
0xc: {  	[smem:$0x3FAC] =	sst s4  }
0xd: {  	[smem:$0x3FAD] =	sst s5  }
0xe: {  	[smem:$0x3FAE] =	sst s6  }
0xf: {  	[smem:$0x3FAF] =	sst s7  }
0x10: {  	[smem:$0x3FB0] =	sst s8  }
0x11: {  	[smem:$0x3FB1] =	sst s9;
	s0 =	simm.s32 @!p0 $0x0  }
0x12: {  	s1 =	sld [smem:$0x3F97];
	s0 =	simm.s32 @p0 $0x1  }
0x13: {  	[smem:$0x3FB2] =	sst s0;
	s0 =	simm.s32 @!p1 $0x0  }
0x14: {  	s2 =	sld [smem:$0x3F96];
	s0 =	simm.s32 @p1 $0x1  }
0x15: {  	[smem:$0x3FB3] =	sst s0;
	s0 =	simm.s32 @!p2 $0x0  }
0x16: {  	s3 =	sld [smem:$0x3FDB];
	s0 =	simm.s32 @p2 $0x1  }
0x17: {  	s4 =	simm.s32 $0x1BF5;
	[smem:$0x3FB5] =	sst s0  }
0x18: {  	s0 =	sld [smem:$0x3F98];
	_ =	swait.ge [sflag:s4], $0x0  }
0x19: {  	s7 =	sld [smem:$0x3F99]  }
0x1a: {  	s8 =	sadd.s32 $0xFFFFE003, lr  }
0x1b: {  	s9 =	sadd.s32 $0xFFFFFEF7, lr;
	s5 =	simm.s32 $0xFFFFFFFF;
	p2 =	slt.u32 s8, $0xFFFFF086  }
0x1c: {  	p1 =	slt.u32 s9, $0xF7A;
	s5 =	simm.s32 @!p2 $0x0  }
0x1d: {  	s5 =	simm.s32 @p1 $0x1;
	p0 =	seq.s32 s7, s2  }
0x1e: {  	s7 =	smul.u32 @!p0 $0xF7A, s2;
	p2 =	seq.s32 @!p0 s5, $0x0  }
0x1f: {  	s9 =	smul.u32 $0xF7A, s1;
	s8 =	simm.s32 @!p0 $0x1BF5;
	p2 =	por !p2, p0  }
0x20: {  	[sflag:s8] =	ssyncset.s32 @!p0 $0xFFFFF086;
	s6 =	sadd.s32 @!p0 s3, s7;
	s7 =	simm.s32 @!p0 $0x108  }
0x21: {  	s3 =	sadd.s32 s3, s9;
	s6 =	sadd.s32 @!p0 $0x88, s6;
	s7 =	simm.s32 @p2 $0x1082  }
0x22: {  	[simem:s7], [sflag:s8] =	dma.local @!p0 [hbm:s6], $0xF7A  }
0x23: {  	s9 =	sor.u32 $0xD0000000, s2;
	s6 =	simm.s32 $0x108;
	_ =	swait.ge @!p0 [sflag:s8], $0x0  }
0x24: {  	s3 =	sadd.s32 $0x88, s3;
	s6 =	simm.s32 @!p1 $0x1082;
	[sflag:s4] =	ssyncset.s32 $0xFFFFF086  }
0x25: {  	[simem:s6], [sflag:s4] =	dma.local [hbm:s3], $0xF7A  }
0x26: {  	[smem:$0x3F99] =	sst s1;
	(tag) =	ssettag s2;
	_ =	strace s9  }
0x27: {  	s1 =	sld [smem:$0x3FA9]  }
0x28: {  	s2 =	sld [smem:$0x3FAA]  }
0x29: {  	s4 =	sld [smem:$0x3FAC]  }
0x2a: {  	p0 =	seq.s32 s5, $0x0;
	s5 =	sld [smem:$0x3FAD]  }
0x2b: {  	s6 =	sld [smem:$0x3FAE]  }
0x2c: {  	s7 =	sld [smem:$0x3FAF]  }
0x2d: {  	s3 =	simm.s32 $0x108;
	s8 =	sld [smem:$0x3FB0]  }
0x2e: {  	s3 =	simm.s32 @!p0 $0x1082;
	s9 =	sld [smem:$0x3FB1]  }
0x2f: {  	lr =	sadd.s32 s0, s3;
	s0 =	sld [smem:$0x3FA8]  }
0x30: {  	s3 =	sld [smem:$0x3FAB]  }
0x31: {  	[smem:$0x3FB4] =	sst s10  }
0x32: {  	s10 =	sld [smem:$0x3FB2];
	_ =	sdelay $0x3  }
0x33: {  	p0 =	seq.s32 s10, $0x1;
	s10 =	sld [smem:$0x3FB4];
	_ =	sdelay $0x3  }
0x34: {  	[smem:$0x3FB4] =	sst s10  }
0x35: {  	s10 =	sld [smem:$0x3FB3];
	_ =	sdelay $0x3  }
0x36: {  	p1 =	seq.s32 s10, $0x1;
	s10 =	sld [smem:$0x3FB4];
	_ =	sdelay $0x3  }
0x37: {  	[smem:$0x3FB4] =	sst s10  }
0x38: {  	s10 =	sld [smem:$0x3FB5]  }
0x39: {  	_ = 	snop;
	(pc) =	sbr.ind lr, $3  }
0x3a: {  	_ = 	snop  }
0x3b: {  	_ = 	snop  }
0x3c: {  	p2 =	seq.s32 s10, $0x1;
	s10 =	sld [smem:$0x3FB4]  }
0x3d: {  	_ =	shalt  }
0x3e: {  	_ =	shalt  }
0x3f: {  	_ =	shalt  }
0x40: {  	_ =	shalt  }
0x41: {  	_ =	shalt  }
0x42: {  	_ =	shalt  }
0x43: {  	_ =	shalt  }
0x44: {  	_ =	shalt  }
0x45: {  	_ =	shalt  }
0x46: {  	_ =	shalt  }
0x47: {  	_ =	shalt  }
0x48: {  	_ =	shalt  }
0x49: {  	_ =	shalt  }
0x4a: {  	_ =	shalt  }
0x4b: {  	_ =	shalt  }
0x4c: {  	_ =	shalt  }
0x4d: {  	_ =	shalt  }
0x4e: {  	_ =	shalt  }
0x4f: {  	_ =	shalt  }
0x50: {  	_ =	shalt  }
0x51: {  	_ =	shalt  }
0x52: {  	_ =	shalt  }
0x53: {  	_ =	shalt  }
0x54: {  	_ =	shalt  }
0x55: {  	_ =	shalt  }
0x56: {  	_ =	shalt  }
0x57: {  	_ =	shalt  }
0x58: {  	_ =	shalt  }
0x59: {  	_ =	shalt  }
0x5a: {  	_ =	shalt  }
0x5b: {  	_ =	shalt  }
0x5c: {  	_ =	shalt  }
0x5d: {  	_ =	shalt  }
0x5e: {  	_ =	shalt  }
0x5f: {  	_ =	shalt  }
0x60: {  	_ =	shalt  }
0x61: {  	_ =	shalt  }
0x62: {  	_ =	shalt  }
0x63: {  	_ =	shalt  }
0x64: {  	_ =	shalt  }
0x65: {  	_ =	shalt  }
0x66: {  	_ =	shalt  }
0x67: {  	_ =	shalt  }
0x68: {  	_ =	shalt  }
0x69: {  	_ =	shalt  }
0x6a: {  	_ =	shalt  }
0x6b: {  	_ =	shalt  }
0x6c: {  	_ =	shalt  }
0x6d: {  	_ =	shalt  }
0x6e: {  	_ =	shalt  }
0x6f: {  	_ =	shalt  }
0x70: {  	_ =	shalt  }
0x71: {  	_ =	shalt  }
0x72: {  	_ =	shalt  }
0x73: {  	_ =	shalt  }
0x74: {  	_ =	shalt  }
0x75: {  	_ =	shalt  }
0x76: {  	_ =	shalt  }
0x77: {  	_ =	shalt  }
0x78: {  	_ =	shalt  }
0x79: {  	_ =	shalt  }
0x7a: {  	_ =	shalt  }
0x7b: {  	_ =	shalt  }
0x7c: {  	_ =	shalt  }
0x7d: {  	_ =	shalt  }
0x7e: {  	_ =	shalt  }
0x7f: {  	_ =	shalt  }
0x80: {  	_ =	shalt  }
0x81: {  	_ =	shalt  }
0x82: {  	_ =	shalt  }
0x83: {  	_ =	shalt  }
0x84: {  	_ =	shalt  }
0x85: {  	_ =	shalt  }
0x86: {  	_ =	shalt  }
0x87: {  	_ =	shalt  }
.Lfunc_end0:
.L_simem_size_0:
called_computation_lowered:
.L_overlay_start_0:
0x88: {  	s2 =	sld [smem:$0x3FD9]  }
0x89: {  	s3 =	sld [smem:$0x3FFE];
	_ =	sdelay $0x1  }
0x8a: {  	s1 =	srdreg.scid  }
0x8b: {  	s0 =	sand.u32 $0x1, s1  }
0x8c: {  	s16 =	sshll.u32 s0, $0xA;
	s2 =	sadd.s32 s3, s2  }
0x8d: {  	s2 =	sadd.s32 s2, s16  }
0x8e: {  	[smem:$0x3FC0] =	sst s2  }
0x8f: {  	_ = 	snop  }
0x90: {  	(tm) =	ssettm $0x1  }
0x91: {  	s17 =	sld [smem:$0x3FFB];
	_ =	sdelay $0x3  }
0x92: {  	_ =	strace s17  }
0x93: {  	s2 =	sld [smem:$0x3FFC];
	_ =	sdelay $0x3  }
0x94: {  	_ =	strace s2  }
0x95: {  	s2 =	sld [smem:$0x3FFD];
	_ =	sdelay $0x3  }
0x96: {  	_ =	strace s2  }
0x97: {  	_ =	strace $0x8FFFFFFF  }
0x98: {  	s18 =	sld [smem:$0x3FDB];
	_ =	sdelay $0x1  }
0x99: {  	s19 =	simm.s32 $_scs_section_size  }
0x9a: {  	s4 =	simm.s32 $_size__tile_overlayer_lowered;
	s5 =	simm.s32 $_tile_overlayer_lowered  }
0x9b: {  	s22 =	simm.s32 $0x1BFF;
	s21 =	sshll.u32 s5, $0x1;
	s2 =	sadd.s32 s19, s18  }
0x9c: {  	s6 =	simm.s32 $0x0;
	s20 =	sshll.u32 s4, $0x1;
	s4 =	sadd.s32 s21, s2  }
0x9d: {  	[timem:s6], [sflag:s22] =	dma.local [hbm:s4], s20  }
0x9e: {  	_ =	swait.ge [sflag:s22], s20  }
0x9f: {  	s3 =	ssub.s32 $0x0, s20;
	[sflag:s22] =	ssyncset.done $0x0  }
0xa0: {  	[sflag:s22] =	ssyncadd.s32 s3;
	_ =	sdelay $0x1  }
0xa1: {  	s23 =	simm.s32 $0x1B8B  }
0xa2: {  	_ =	swait.ge [sflag:s23], $0x1  }
0xa3: {  	[sflag:s23] =	ssyncset.done $0x0  }
0xa4: {  	s25 =	simm.s32 $0x1B8E;
	s24 =	sld [smem:$0x3FFE];
	[sflag:s23] =	ssyncadd.s32 $0xFFFFFFFF  }
0xa5: {  	s26 =	simm.s32 $execute0_lowered;
	[smem:$0x3FD2] =	sst s25  }
0xa6: {  	s4 =	sshll.u32 s26, $0x1;
	_ =	strace $0x80000046;
	[dreg:$0x1] =	wrdreg $0xFFFFFFFF  }
0xa7: {  	s28 =	simm.s32 $_size_execute0_lowered;
	s2 =	sadd.s32 s2, s4;
	[dreg:$0x0] =	wrdreg $0x0  }
0xa8: {  	s4 =	sshll.u32 s28, $0x1;
	[dreg:$0x2] =	wrdreg s2  }
0xa9: {  	[dreg:$0x3] =	wrdreg s4  }
0xaa: {  	[dreg:$0x4] =	wrdreg $0xC0  }
0xab: {  	_ =	task [dreg:s6], $0x5FFFF  }
0xac: {  	[dreg:$0x1] =	wrdreg $0xFFFFFFFF  }
0xad: {  	[dreg:$0x0] =	wrdreg $0x60  }
0xae: {  	[dreg:$0x2] =	wrdreg s24  }
0xaf: {  	[dreg:$0x3] =	wrdreg $0x9  }
0xb0: {  	_ =	task.clear_ibuf [dreg:s6], $0x4FFFF;
	_ =	strace $0x90000046  }
0xb1: {  	s29 =	simm.s32 $0x9;
	_ =	strace $0x80000048  }
0xb2: {  	_ =	swait.ge [sflag:s29], $0x1  }
0xb3: {  	[sflag:s29] =	ssyncadd.s32 $0xFFFFFFFF  }
0xb4: {  	_ =	strace $0x90000048  }
0xb5: {  	_ =	sfence  }
0xb6: {  	s30 =	sld [smem:$0x0];
	_ =	sdelay $0x2  }
0xb7: {  	s31 =	sshll.u32 s1, $0xD;
	s1 =	sshrl.u32 s1, $0x2  }
0xb8: {  	s3 =	sand.u32 $0x4000, s31;
	s1 =	sadd.s32 s1, s30  }
0xb9: {  	s0 =	sor.u32 s3, s0;
	s1 =	sshll.u32 s1, $0x11  }
0xba: {  	s0 =	sor.u32 s1, s0  }
0xbb: {  	s0 =	sadd.s32 $0x8F2B, s0  }
0xbc: {  	[sflag:s0] =	ssyncadd.remote.s32 $0x1  }
0xbd: {  	_ =	sfence.sel $0xFFFF  }
0xbe: {  	[dreg:$0x0] =	wrdreg $0xFFFFFFFF;
	(pc) =	sbr.abs _section_cstart, $3  }
0xbf: {  	[dreg:$0x1] =	wrdreg $0xFFFFFFFF  }
0xc0: {  	_ =	task.clear_ibuf [dreg:s6], $0x2FFFF;
	_ =	strace $0x9FFFFFFF  }
0xc1: {  	(tm) =	ssettm $0x7FFFFFFF  }
tec
execute0_lowered:
.L_overlay_start_1:
0x0: {  	(tag) =	ssettag $0x1  }
0x1: {  	s1 =	srdreg.scid;
	s0 =	stileid.u32  }
0x2: {  	s1 =	sand.u32 $0x1, s1;
	s2 =	sshll.u32 s0, $0x1  }
0x3: {  	s4 =	rddreg [dreg:$0x0];
	s3 =	sor.u32 s1, s2;
	s2 =	simm.s32 $0x0  }
0x4: {  	s16 =	simm.s32 $0x68;
	[smem:$0x7FF] =	sst s2  }
0x5: {  	s17 =	simm.s32 $0x1300;
	_ =	strace $0x80000047;
	[dreg:$0x4] =	wrdreg s16  }
0x6: {  	s18 =	simm.s32 $0xD0;
	[dreg:$0x5] =	wrdreg s17  }
0x7: {  	s19 =	simm.s32 $0x1F80;
	[dreg:$0x6] =	wrdreg s18  }
0x8: {  	s20 =	simm.s32 $0x138;
	s5 =	smul.u32 $0xD0, s3;
	[dreg:$0x7] =	wrdreg s19  }
0x9: {  	s21 =	simm.s32 $0x2C00;
	s3 =	smul.u32 $0x1900, s3;
	[dreg:$0x8] =	wrdreg s20  }
0xa: {  	s6 =	simm.s32 $0x1A0;
	[dreg:$0x9] =	wrdreg s21;
	s5 =	sadd.s32 s5, s4  }
0xb: {  	[dreg:$0xa] =	wrdreg s6;
	s3 =	sadd.s32 s3, s4;
	s5 =	sadd.s32 $0x2A00, s5  }
0xc: {  	s3 =	sadd.s32 $0x66000, s3;
	[dreg:$0x2] =	wrdreg s5  }
0xd: {  	[dreg:$0x3] =	wrdreg s3  }
0xe: {  	s3 =	simm.s32 $0x2;
	s5 =	rddreg [dreg:$0x2]  }
0xf: {  	[tilespmem:s2], [sflag:$0x2] =	stream.linear.gather [hbm4b:s5+s2], $0x680, $0x38;
	[tilespmem:$0xCE80] =	vst v63  }
0x10: {  	_ =	swait.ge [sflag:s3], $0x680  }
0x11: {  	s6 =	simm.s32 $0x680;
	s7 =	rddreg [dreg:$0x8]  }
0x12: {  	s4 =	sadd.s32 $0x4400, s4;
	s8 =	rddreg [dreg:$0x6];
	[sflag:s3] =	ssyncset.done $0x0  }
0x13: {  	s5 =	simm.s32 $0x64;
	s9 =	rddreg [dreg:$0x4];
	[sflag:s3] =	ssyncadd.s32 $0xFFFFF980  }
0x14: {  	[tilespmem:s6], [sflag:$0x1] =	stream.indirect.gather [hbm4b:s4+s5], $0x20, s2, s5, $0xb8;
	[tilespmem:$0xCE80] =	vst v63  }
0x15: {  	s10 =	rddreg [dreg:$0x5]  }
0x16: {  	[tilespmem:s10], [sflag:$0x1] =	stream.indirect.gather [hbm4b:s4+s5], $0x20, s9, s5, $0xb8;
	[tilespmem:$0xCE80] =	vst v63  }
0x17: {  	s11 =	rddreg [dreg:$0x7]  }
0x18: {  	[tilespmem:s11], [sflag:$0x1] =	stream.indirect.gather [hbm4b:s4+s5], $0x20, s8, s5, $0xb8;
	[tilespmem:$0xCE80] =	vst v63  }
0x19: {  	s22 =	rddreg [dreg:$0x9]  }
0x1a: {  	[tilespmem:s22], [sflag:$0x1] =	stream.indirect.gather [hbm4b:s4+s5], $0x20, s7, s5, $0xb8;
	[tilespmem:$0xCE80] =	vst v63  }
0x1b: {  	s24 =	simm.s32 $0x3880;
	s23 =	rddreg [dreg:$0xa]  }
0x1c: {  	[tilespmem:s24], [sflag:$0x1] =	stream.indirect.gather [hbm4b:s4+s5], $0x20, s23, s5, $0xb8;
	[tilespmem:$0xCE80] =	vst v63  }
0x1d: {  	s25 =	simm.s32 $0x208;
	s26 =	simm.s32 $0x4500  }
0x1e: {  	[tilespmem:s26], [sflag:$0x1] =	stream.indirect.gather [hbm4b:s4+s5], $0x20, s25, s5, $0xb8;
	[tilespmem:$0xCE80] =	vst v63  }
0x1f: {  	s8 =	simm.s32 $0x5180;
	s7 =	simm.s32 $0x270  }
0x20: {  	[tilespmem:s8], [sflag:$0x1] =	stream.indirect.gather [hbm4b:s4+s5], $0x20, s7, s5, $0xb8;
	[tilespmem:$0xCE80] =	vst v63  }
0x21: {  	s12 =	simm.s32 $0x2D8;
	s13 =	simm.s32 $0x5E00  }
0x22: {  	[tilespmem:s13], [sflag:$0x1] =	stream.indirect.gather [hbm4b:s4+s5], $0x20, s12, s5, $0xb8;
	[tilespmem:$0xCE80] =	vst v63  }
0x23: {  	s14 =	simm.s32 $0x340;
	s15 =	simm.s32 $0x6A80  }
0x24: {  	[tilespmem:s15], [sflag:$0x1] =	stream.indirect.gather [hbm4b:s4+s5], $0x20, s14, s5, $0xb8;
	[tilespmem:$0xCE80] =	vst v63  }
0x25: {  	s16 =	simm.s32 $0x3A8;
	s17 =	simm.s32 $0x7700  }
0x26: {  	[tilespmem:s17], [sflag:$0x1] =	stream.indirect.gather [hbm4b:s4+s5], $0x20, s16, s5, $0xb8;
	[tilespmem:$0xCE80] =	vst v63  }
0x27: {  	s18 =	simm.s32 $0x410;
	s19 =	simm.s32 $0x8380  }
0x28: {  	[tilespmem:s19], [sflag:$0x1] =	stream.indirect.gather [hbm4b:s4+s5], $0x20, s18, s5, $0xb8;
	[tilespmem:$0xCE80] =	vst v63  }
0x29: {  	s20 =	simm.s32 $0x478;
	s21 =	simm.s32 $0x9000  }
0x2a: {  	[tilespmem:s21], [sflag:$0x1] =	stream.indirect.gather [hbm4b:s4+s5], $0x20, s20, s5, $0xb8;
	[tilespmem:$0xCE80] =	vst v63  }
0x2b: {  	s22 =	simm.s32 $0x4E0;
	s23 =	simm.s32 $0x9C80  }
0x2c: {  	[tilespmem:s23], [sflag:$0x1] =	stream.indirect.gather [hbm4b:s4+s5], $0x20, s22, s5, $0xb8;
	[tilespmem:$0xCE80] =	vst v63  }
0x2d: {  	s24 =	simm.s32 $0x548;
	s25 =	simm.s32 $0xA900  }
0x2e: {  	[tilespmem:s25], [sflag:$0x1] =	stream.indirect.gather [hbm4b:s4+s5], $0x20, s24, s5, $0xb8;
	[tilespmem:$0xCE80] =	vst v63  }
0x2f: {  	s28 =	simm.s32 $0xB580;
	s26 =	simm.s32 $0x5B0  }
0x30: {  	[tilespmem:s28], [sflag:$0x1] =	stream.indirect.gather [hbm4b:s4+s5], $0x20, s26, s5, $0xb8;
	[tilespmem:$0xCE80] =	vst v63  }
0x31: {  	s29 =	simm.s32 $0x618;
	s30 =	simm.s32 $0xC200;
	s31 =	simm.s32 $0x1  }
0x32: {  	[tilespmem:s30], [sflag:$0x1] =	stream.indirect.gather [hbm4b:s4+s5], $0x20, s29, s5, $0xb8;
	[tilespmem:$0xCE80] =	vst v63  }
0x33: {  	_ =	swait.ge [sflag:s31], $0xC80  }
0x34: {  	[sflag:s31] =	ssyncset.done $0x0  }
0x35: {  	[sflag:s31] =	ssyncadd.s32 $0xFFFFF380  }
0x36: {  	_ =	swait.ge [sflag:s31], $0xC80  }
0x37: {  	[sflag:s31] =	ssyncset.done $0x0  }
0x38: {  	[sflag:s31] =	ssyncadd.s32 $0xFFFFF380  }
0x39: {  	_ =	swait.ge [sflag:s31], $0xC80  }
0x3a: {  	[sflag:s31] =	ssyncset.done $0x0  }
0x3b: {  	[sflag:s31] =	ssyncadd.s32 $0xFFFFF380  }
0x3c: {  	_ =	swait.ge [sflag:s31], $0xC80  }
0x3d: {  	[sflag:s31] =	ssyncset.done $0x0  }
0x3e: {  	[sflag:s31] =	ssyncadd.s32 $0xFFFFF380  }
0x3f: {  	_ =	swait.ge [sflag:s31], $0xC80  }
0x40: {  	[sflag:s31] =	ssyncset.done $0x0  }
0x41: {  	[sflag:s31] =	ssyncadd.s32 $0xFFFFF380  }
0x42: {  	_ =	swait.ge [sflag:s31], $0xC80  }
0x43: {  	[sflag:s31] =	ssyncset.done $0x0  }
0x44: {  	[sflag:s31] =	ssyncadd.s32 $0xFFFFF380  }
0x45: {  	_ =	swait.ge [sflag:s31], $0xC80  }
0x46: {  	[sflag:s31] =	ssyncset.done $0x0  }
0x47: {  	[sflag:s31] =	ssyncadd.s32 $0xFFFFF380  }
0x48: {  	_ =	swait.ge [sflag:s31], $0xC80  }
0x49: {  	[sflag:s31] =	ssyncset.done $0x0  }
0x4a: {  	[sflag:s31] =	ssyncadd.s32 $0xFFFFF380  }
0x4b: {  	_ =	swait.ge [sflag:s31], $0xC80  }
0x4c: {  	[sflag:s31] =	ssyncset.done $0x0  }
0x4d: {  	[sflag:s31] =	ssyncadd.s32 $0xFFFFF380  }
0x4e: {  	_ =	swait.ge [sflag:s31], $0xC80  }
0x4f: {  	[sflag:s31] =	ssyncset.done $0x0  }
0x50: {  	[sflag:s31] =	ssyncadd.s32 $0xFFFFF380  }
0x51: {  	_ =	swait.ge [sflag:s31], $0xC80  }
0x52: {  	[sflag:s31] =	ssyncset.done $0x0  }
0x53: {  	[sflag:s31] =	ssyncadd.s32 $0xFFFFF380  }
0x54: {  	_ =	swait.ge [sflag:s31], $0xC80  }
0x55: {  	[sflag:s31] =	ssyncset.done $0x0  }
0x56: {  	[sflag:s31] =	ssyncadd.s32 $0xFFFFF380  }
0x57: {  	_ =	swait.ge [sflag:s31], $0xC80  }
0x58: {  	[sflag:s31] =	ssyncset.done $0x0  }
0x59: {  	[sflag:s31] =	ssyncadd.s32 $0xFFFFF380  }
0x5a: {  	s1 =	ssub.s32 $0x2, s1;
	_ =	swait.ge [sflag:s31], $0xC80  }
0x5b: {  	s10 =	sshrl.u32 s1, $0x1;
	[sflag:s31] =	ssyncset.done $0x0  }
0x5c: {  	s0 =	ssub.s32 s1, s10;
	[sflag:s31] =	ssyncadd.s32 $0xFFFFF380  }
0x5d: {  	s0 =	smax.u32 s0, $0x1;
	_ =	swait.ge [sflag:s31], $0xC80  }
0x5e: {  	p0 =	sne.s32 s0, $0x1;
	[sflag:s31] =	ssyncset.done $0x0  }
.Ltmp0:
0x5f: {  	[sflag:s31] =	ssyncadd.s32 $0xFFFFF380;
	(pc) =	sbr.rel @!p0 .LBB2_2-.Ltmp0, $4  }
0x60: {  	_ =	swait.ge [sflag:s31], $0xC80  }
0x61: {  	s11 =	simm.s32 $0x5180;
	[sflag:s31] =	ssyncset.done $0x0  }
0x62: {  	s1 =	sadd.s32 $0xFFFFFFFF, s0;
	s9 =	rddreg [dreg:$0x3];
	[sflag:s31] =	ssyncadd.s32 $0xFFFFF380  }
0x63: {  	[hbm4b:s9+s2] =	stream.linear.scatter [tilespmem:s6], [sflag:$0x2], $0xC800, $0x38;
	[tilespmem:$0xCE80] =	vst v63  }
.LBB2_1:
0x64: {  	_ =	swait.ge [sflag:s3], $0xC800  }
0x65: {  	[sflag:s3] =	ssyncset.done $0x0  }
0x66: {  	s0 =	rddreg [dreg:$0x2];
	[sflag:s3] =	ssyncadd.s32 $0xFFFF3800  }
0x67: {  	[tilespmem:s2], [sflag:$0x2] =	stream.linear.gather [hbm4b:s0+s2], $0x680, $0x38;
	[tilespmem:$0xCE80] =	vst v63  }
0x68: {  	_ =	swait.ge [sflag:s3], $0x680  }
0x69: {  	s0 =	rddreg [dreg:$0x8]  }
0x6a: {  	[sflag:s3] =	ssyncset.done $0x0;
	s7 =	rddreg [dreg:$0x6]  }
0x6b: {  	s8 =	rddreg [dreg:$0x4];
	[sflag:s3] =	ssyncadd.s32 $0xFFFFF980  }
0x6c: {  	[tilespmem:s6], [sflag:$0x1] =	stream.indirect.gather [hbm4b:s4+s5], $0x20, s2, s5, $0xb8;
	[tilespmem:$0xCE80] =	vst v63  }
0x6d: {  	s9 =	rddreg [dreg:$0x5]  }
0x6e: {  	[tilespmem:s9], [sflag:$0x1] =	stream.indirect.gather [hbm4b:s4+s5], $0x20, s8, s5, $0xb8;
	[tilespmem:$0xCE80] =	vst v63  }
0x6f: {  	s10 =	rddreg [dreg:$0x7]  }
0x70: {  	[tilespmem:s10], [sflag:$0x1] =	stream.indirect.gather [hbm4b:s4+s5], $0x20, s7, s5, $0xb8;
	[tilespmem:$0xCE80] =	vst v63  }
0x71: {  	s8 =	rddreg [dreg:$0x9]  }
0x72: {  	[tilespmem:s8], [sflag:$0x1] =	stream.indirect.gather [hbm4b:s4+s5], $0x20, s0, s5, $0xb8;
	[tilespmem:$0xCE80] =	vst v63  }
0x73: {  	s9 =	rddreg [dreg:$0xa];
	s10 =	simm.s32 $0x3880  }
0x74: {  	[tilespmem:s10], [sflag:$0x1] =	stream.indirect.gather [hbm4b:s4+s5], $0x20, s9, s5, $0xb8;
	[tilespmem:$0xCE80] =	vst v63  }
0x75: {  	s7 =	simm.s32 $0x208;
	s8 =	simm.s32 $0x4500  }
0x76: {  	[tilespmem:s8], [sflag:$0x1] =	stream.indirect.gather [hbm4b:s4+s5], $0x20, s7, s5, $0xb8;
	[tilespmem:$0xCE80] =	vst v63  }
0x77: {  	s9 =	simm.s32 $0x270  }
0x78: {  	[tilespmem:s11], [sflag:$0x1] =	stream.indirect.gather [hbm4b:s4+s5], $0x20, s9, s5, $0xb8;
	[tilespmem:$0xCE80] =	vst v63  }
0x79: {  	_ = 	snop  }
0x7a: {  	[tilespmem:s13], [sflag:$0x1] =	stream.indirect.gather [hbm4b:s4+s5], $0x20, s12, s5, $0xb8;
	[tilespmem:$0xCE80] =	vst v63  }
0x7b: {  	_ = 	snop  }
0x7c: {  	[tilespmem:s15], [sflag:$0x1] =	stream.indirect.gather [hbm4b:s4+s5], $0x20, s14, s5, $0xb8;
	[tilespmem:$0xCE80] =	vst v63  }
0x7d: {  	_ = 	snop  }
0x7e: {  	[tilespmem:s17], [sflag:$0x1] =	stream.indirect.gather [hbm4b:s4+s5], $0x20, s16, s5, $0xb8;
	[tilespmem:$0xCE80] =	vst v63  }
0x7f: {  	_ = 	snop  }
0x80: {  	[tilespmem:s19], [sflag:$0x1] =	stream.indirect.gather [hbm4b:s4+s5], $0x20, s18, s5, $0xb8;
	[tilespmem:$0xCE80] =	vst v63  }
0x81: {  	_ = 	snop  }
0x82: {  	[tilespmem:s21], [sflag:$0x1] =	stream.indirect.gather [hbm4b:s4+s5], $0x20, s20, s5, $0xb8;
	[tilespmem:$0xCE80] =	vst v63  }
0x83: {  	_ = 	snop  }
0x84: {  	[tilespmem:s23], [sflag:$0x1] =	stream.indirect.gather [hbm4b:s4+s5], $0x20, s22, s5, $0xb8;
	[tilespmem:$0xCE80] =	vst v63  }
0x85: {  	_ = 	snop  }
0x86: {  	[tilespmem:s25], [sflag:$0x1] =	stream.indirect.gather [hbm4b:s4+s5], $0x20, s24, s5, $0xb8;
	[tilespmem:$0xCE80] =	vst v63  }
0x87: {  	_ = 	snop  }
0x88: {  	[tilespmem:s28], [sflag:$0x1] =	stream.indirect.gather [hbm4b:s4+s5], $0x20, s26, s5, $0xb8;
	[tilespmem:$0xCE80] =	vst v63  }
0x89: {  	_ = 	snop  }
0x8a: {  	[tilespmem:s30], [sflag:$0x1] =	stream.indirect.gather [hbm4b:s4+s5], $0x20, s29, s5, $0xb8;
	[tilespmem:$0xCE80] =	vst v63  }
0x8b: {  	_ =	swait.ge [sflag:s31], $0xC80  }
0x8c: {  	[sflag:s31] =	ssyncset.done $0x0  }
0x8d: {  	[sflag:s31] =	ssyncadd.s32 $0xFFFFF380  }
0x8e: {  	_ =	swait.ge [sflag:s31], $0xC80  }
0x8f: {  	[sflag:s31] =	ssyncset.done $0x0  }
0x90: {  	[sflag:s31] =	ssyncadd.s32 $0xFFFFF380  }
0x91: {  	_ =	swait.ge [sflag:s31], $0xC80  }
0x92: {  	[sflag:s31] =	ssyncset.done $0x0  }
0x93: {  	[sflag:s31] =	ssyncadd.s32 $0xFFFFF380  }
0x94: {  	_ =	swait.ge [sflag:s31], $0xC80  }
0x95: {  	[sflag:s31] =	ssyncset.done $0x0  }
0x96: {  	[sflag:s31] =	ssyncadd.s32 $0xFFFFF380  }
0x97: {  	_ =	swait.ge [sflag:s31], $0xC80  }
0x98: {  	[sflag:s31] =	ssyncset.done $0x0  }
0x99: {  	[sflag:s31] =	ssyncadd.s32 $0xFFFFF380  }
0x9a: {  	_ =	swait.ge [sflag:s31], $0xC80  }
0x9b: {  	[sflag:s31] =	ssyncset.done $0x0  }
0x9c: {  	[sflag:s31] =	ssyncadd.s32 $0xFFFFF380  }
0x9d: {  	_ =	swait.ge [sflag:s31], $0xC80  }
0x9e: {  	[sflag:s31] =	ssyncset.done $0x0  }
0x9f: {  	[sflag:s31] =	ssyncadd.s32 $0xFFFFF380  }
0xa0: {  	_ =	swait.ge [sflag:s31], $0xC80  }
0xa1: {  	[sflag:s31] =	ssyncset.done $0x0  }
0xa2: {  	[sflag:s31] =	ssyncadd.s32 $0xFFFFF380  }
0xa3: {  	_ =	swait.ge [sflag:s31], $0xC80  }
0xa4: {  	[sflag:s31] =	ssyncset.done $0x0  }
0xa5: {  	[sflag:s31] =	ssyncadd.s32 $0xFFFFF380  }
0xa6: {  	_ =	swait.ge [sflag:s31], $0xC80  }
0xa7: {  	[sflag:s31] =	ssyncset.done $0x0  }
0xa8: {  	[sflag:s31] =	ssyncadd.s32 $0xFFFFF380  }
0xa9: {  	_ =	swait.ge [sflag:s31], $0xC80  }
0xaa: {  	[sflag:s31] =	ssyncset.done $0x0  }
0xab: {  	[sflag:s31] =	ssyncadd.s32 $0xFFFFF380  }
0xac: {  	_ =	swait.ge [sflag:s31], $0xC80  }
0xad: {  	[sflag:s31] =	ssyncset.done $0x0  }
0xae: {  	[sflag:s31] =	ssyncadd.s32 $0xFFFFF380  }
0xaf: {  	_ =	swait.ge [sflag:s31], $0xC80  }
0xb0: {  	[sflag:s31] =	ssyncset.done $0x0  }
0xb1: {  	[sflag:s31] =	ssyncadd.s32 $0xFFFFF380  }
0xb2: {  	_ =	swait.ge [sflag:s31], $0xC80  }
0xb3: {  	[sflag:s31] =	ssyncset.done $0x0  }
0xb4: {  	[sflag:s31] =	ssyncadd.s32 $0xFFFFF380  }
0xb5: {  	_ =	swait.ge [sflag:s31], $0xC80  }
0xb6: {  	p0 =	sne.s32 s1, $0x1;
	[sflag:s31] =	ssyncset.done $0x0  }
.Ltmp1:
0xb7: {  	[sflag:s31] =	ssyncadd.s32 $0xFFFFF380;
	(pc) =	sbr.rel @p0 .LBB2_1-.Ltmp1, $4  }
0xb8: {  	_ =	swait.ge [sflag:s31], $0xC80  }
0xb9: {  	[sflag:s31] =	ssyncset.done $0x0  }
0xba: {  	s1 =	sadd.s32 $0xFFFFFFFF, s1;
	s10 =	rddreg [dreg:$0x3];
	[sflag:s31] =	ssyncadd.s32 $0xFFFFF380  }
0xbb: {  	[hbm4b:s10+s2] =	stream.linear.scatter [tilespmem:s6], [sflag:$0x2], $0xC800, $0x38;
	[tilespmem:$0xCE80] =	vst v63  }
.LBB2_2:
0xbc: {  	_ =	swait.ge [sflag:s3], $0xC800  }
0xbd: {  	[sflag:s3] =	ssyncset.done $0x0  }
0xbe: {  	[sflag:s3] =	ssyncadd.s32 $0xFFFF3800  }
0xbf: {  	_ =	sfence.sel $0x180000  }
0xc0: {  	[bflag:$0x0] =	sbarrier.arrive $0xFFFF  }
0xc1: {  	_ =	strace $0x90000047  }
0xc2: {  	s0 =	stileid.u32;
	[bflag:$0x2] =	sbarrier.arrive $0xFFFF  }
0xc3: {  	p0 =	sne.s32 s0, $0x0;
	s0 =	rddreg [dreg:$0x1]  }
0xc4: {  	s0 =	sadd.s32 @!p0 $0x100000, s0  }
0xc5: {  	[sflag:s0] =	ssyncadd.tile.s32 @!p0 $0x1;
	_ =	shalt  }
.Lfunc_end2:
_tile_overlayer_lowered:
.L_overlay_start_2:
0xc6: {  	(tag) =	ssettag $0x2  }
0xc7: {  	s0 =	rddreg [dreg:$0x0];
	s2 =	stileid.u32  }
0xc8: {  	s1 =	rddreg [dreg:$0x1];
	p0 =	sne.s32 s2, $0x0  }
0xc9: {  	s3 =	rddreg [dreg:$0x2];
	[bflag:$0x3] =	sbarrier.arrive $0xFFFF;
	s2 =	simm.s32 @!p0 $0x1C02  }
0xca: {  	[timem:s3], [sflag:s2] =	dma.local @!p0 [hbm:s0], s1  }
0xcb: {  	s0 =	simm.s32 @!p0 $0x2  }
0xcc: {  	_ =	swait.ge @!p0 [sflag:s0], s1  }
0xcd: {  	s1 =	ssub.s32 @!p0 $0x0, s1;
	[sflag:s0] =	ssyncset.done @!p0 $0x0  }
0xce: {  	[sflag:s0] =	ssyncadd.s32 @!p0 s1  }
0xcf: {  	[bflag:$0x3] =	sbarrier.arrive $0xFFFF  }
0xd0: {  	_ =	shalt  }

</sc_bundles>
